<compile_context>
chip_gen: v7x
topology: tpu7x:2x2x1
jax: 0.10.2.dev20260603
libtpu: 0.0.44.dev20260713+nightly
codegen_flags: <defaults>
</compile_context>

<pallas_src>
import functools

import jax
import jax.numpy as jnp
from jax import lax
from jax.experimental import pallas as pl
from jax.experimental.pallas import tpu as pltpu
from jax.experimental.pallas import tpu_sc as plsc

_N = 10000
_E = 320000
_SIZE = 128

_NC = 2
_NS = 16
_NW = _NC * _NS
_CHUNK = 56
_NBUF = 4

_IGRP = 8
_NGRP = -(-_E // (_NW * _CHUNK * _IGRP))
_NCHUNK = _NGRP * _IGRP
_EPW = _NCHUNK * _CHUNK
_EPAD = _NW * _EPW

_STRIPE = (-(-(_N + 1) // _NS) + 7) // 8 * 8
_NPAD = _NS * _STRIPE

_BLK = 1024

_STRIPE_CHUNKS = []
_off = 0
while _off < _STRIPE:
    _STRIPE_CHUNKS.append((_off, min(_CHUNK, _STRIPE - _off)))
    _off += _CHUNK


def _sc_body(src_hbm, dst_hbm, table_hbm, za_hbm,
             parts_hbm,
             src_v, dst_v, b0, b1, b2, b3,
             g0, g1, g2, g3, acc_sh):
    bufs = (b0, b1, b2, b3)
    gsem = (g0, g1, g2, g3)
    c = lax.axis_index("c")
    s = lax.axis_index("s")
    wid = s * _NC + c
    r0 = s * _STRIPE

    pltpu.sync_copy(za_hbm, b0)
    for off, sz in _STRIPE_CHUNKS:
        pltpu.sync_copy(b0.at[pl.ds(0, sz)], acc_sh.at[pl.ds(r0 + off, sz)])
    plsc.subcore_barrier()

    def group(g, carry):
        pltpu.sync_copy(src_hbm.at[wid, pl.ds(g * _IGRP, _IGRP)], src_v)
        pltpu.sync_copy(dst_hbm.at[wid, pl.ds(g * _IGRP, _IGRP)], dst_v)
        for r in range(_NBUF):
            pltpu.async_copy(table_hbm.at[src_v.at[r]], bufs[r], gsem[r])
        for r in range(_IGRP):
            b = r % _NBUF
            pltpu.make_async_copy(table_hbm.at[src_v.at[r]], bufs[b],
                                  gsem[b]).wait()
            pltpu.sync_copy(bufs[b], acc_sh.at[dst_v.at[r]], add=True)
            if r + _NBUF < _IGRP:
                pltpu.async_copy(table_hbm.at[src_v.at[r + _NBUF]], bufs[b],
                                 gsem[b])
        return carry

    lax.fori_loop(0, _NGRP, group, 0)
    plsc.subcore_barrier()

    for off, sz in _STRIPE_CHUNKS:
        pltpu.sync_copy(acc_sh.at[pl.ds(r0 + off, sz)], b0.at[pl.ds(0, sz)])
        pltpu.sync_copy(b0.at[pl.ds(0, sz)],
                        parts_hbm.at[c, pl.ds(r0 + off, sz)])


_sc_gather_scatter = functools.partial(
    pl.kernel,
    mesh=plsc.VectorSubcoreMesh(core_axis_name="c", subcore_axis_name="s"),
    out_type=[
        jax.ShapeDtypeStruct((_NC, _NPAD, _SIZE), jnp.float32),
    ],
    scratch_types=[
        pltpu.VMEM((_IGRP, _CHUNK), jnp.int32),
        pltpu.VMEM((_IGRP, _CHUNK), jnp.int32),
        pltpu.VMEM((_CHUNK, _SIZE), jnp.float32),
        pltpu.VMEM((_CHUNK, _SIZE), jnp.float32),
        pltpu.VMEM((_CHUNK, _SIZE), jnp.float32),
        pltpu.VMEM((_CHUNK, _SIZE), jnp.float32),
        pltpu.SemaphoreType.DMA,
        pltpu.SemaphoreType.DMA,
        pltpu.SemaphoreType.DMA,
        pltpu.SemaphoreType.DMA,
        pltpu.VMEM_SHARED((_NPAD, _SIZE), jnp.float32),
    ],
)(_sc_body)


def _tc_pre_body(ih_ref, wi_ref, b_ref, t_ref):
    t_ref[...] = lax.dot_general(
        ih_ref[...], wi_ref[...], (((1,), (1,)), ((), ())),
        preferred_element_type=jnp.float32) + b_ref[...]


def _tc_pre(inside_h, w_inc, b_inc2d):
    nblk = -(-_N // _BLK)
    return pl.pallas_call(
        _tc_pre_body,
        grid=(nblk,),
        in_specs=[
            pl.BlockSpec((_BLK, _SIZE), lambda i: (i, 0)),
            pl.BlockSpec((_SIZE, _SIZE), lambda i: (0, 0)),
            pl.BlockSpec((1, _SIZE), lambda i: (0, 0)),
        ],
        out_specs=pl.BlockSpec((_BLK, _SIZE), lambda i: (i, 0)),
        out_shape=jax.ShapeDtypeStruct((_N, _SIZE), jnp.float32),
    )(inside_h, w_inc, b_inc2d)


def _tc_post_body(a_ref, nf_ref, wn_ref, h_ref, ex_ref):
    red = a_ref[0] + a_ref[1]
    ex_ref[...] = red
    h_ref[...] = jnp.tanh(
        lax.dot_general(nf_ref[...], wn_ref[...], (((1,), (1,)), ((), ())),
                        preferred_element_type=jnp.float32) + red)


def _tc_post(parts, node_feat, w_node):
    nblk = -(-_N // _BLK)
    return pl.pallas_call(
        _tc_post_body,
        grid=(nblk,),
        in_specs=[
            pl.BlockSpec((_NC, _BLK, _SIZE), lambda i: (0, i, 0)),
            pl.BlockSpec((_BLK, _SIZE), lambda i: (i, 0)),
            pl.BlockSpec((_SIZE, _SIZE), lambda i: (0, 0)),
        ],
        out_specs=[pl.BlockSpec((_BLK, _SIZE), lambda i: (i, 0)),
                   pl.BlockSpec((_BLK, _SIZE), lambda i: (i, 0))],
        out_shape=[jax.ShapeDtypeStruct((_N, _SIZE), jnp.float32),
                   jax.ShapeDtypeStruct((_N, _SIZE), jnp.float32)],
    )(parts, node_feat, w_node)


def kernel(node_feat, inside_h, edge_index, W_node, W_inc, b_inc):
    src = edge_index[0].astype(jnp.int32)
    dst = edge_index[1].astype(jnp.int32)
    epw = _E // _NW
    padw = _EPW - epw
    pidx = jnp.arange(padw, dtype=jnp.int32)
    pad_src = jnp.broadcast_to(pidx * 37 % _N, (_NW, padw))
    pad_dst = jnp.broadcast_to(_N + pidx % (_NPAD - _N), (_NW, padw))
    src_p = jnp.concatenate([src.reshape(_NW, epw), pad_src], axis=1)
    dst_p = jnp.concatenate([dst.reshape(_NW, epw), pad_dst], axis=1)
    src_p = src_p.reshape(_NW, _NCHUNK, _CHUNK)
    dst_p = dst_p.reshape(_NW, _NCHUNK, _CHUNK)

    za = jnp.zeros((_CHUNK, _SIZE), jnp.float32)

    table = _tc_pre(inside_h, W_inc, b_inc.reshape(1, _SIZE))
    (parts,) = _sc_gather_scatter(src_p, dst_p, table, za)
    h, h_exclude = _tc_post(parts, node_feat, W_node)
    return (h, h_exclude)

# --- scband reference (transcript-rebuilt; emitter-appended) ---
"""Pipeline reference for scband-tree-cell-13864154432276 (READ-ONLY COPY).

The authoritative reference and input builder live on the scoring server;
editing this copy changes nothing except your own understanding.
"""

import jax, jax.numpy as jnp
import numpy as np

N = 10000
E = 320000
SIZE = 128

def setup_inputs(seed: int = 0) -> dict:
    key = jax.random.key(seed)
    k1, k2, k3, k4, k5, k6 = jax.random.split(key, 6)
    node_feat = jax.random.normal(k1, (N, SIZE), dtype=jnp.float32)
    inside_h = jax.random.normal(k2, (N, SIZE), dtype=jnp.float32)
    edge_index = jax.random.randint(k3, (2, E), 0, N, dtype=jnp.int64)
    scale = 1.0 / np.sqrt(SIZE)
    W_node = jax.random.uniform(k4, (SIZE, SIZE), dtype=jnp.float32, minval=-scale, maxval=scale)
    W_inc = jax.random.uniform(k5, (SIZE, SIZE), dtype=jnp.float32, minval=-scale, maxval=scale)
    b_inc = jax.random.uniform(k6, (SIZE,), dtype=jnp.float32, minval=-scale, maxval=scale)
    return {"node_feat": node_feat, "inside_h": inside_h, "edge_index": edge_index,
            "W_node": W_node, "W_inc": W_inc, "b_inc": b_inc}

def reference(node_feat, inside_h, edge_index, W_node, W_inc, b_inc):
    # One 'inside' message-passing step of TreeCell:
    # message_func: msg = inside_h[src]
    src = edge_index[0]
    dst = edge_index[1]
    msg = jnp.take(inside_h, src, axis=0)                      # gather [E, size]
    # reduce_func: h = sum_over_incoming( inside_incoming_f(msg) )
    # Linear applied per-message (bias added per message) then summed over mailbox dim.
    transformed = msg @ W_inc.T + b_inc                        # [E, size]
    reduced = jax.ops.segment_sum(transformed, dst, num_segments=node_feat.shape[0])  # scatter-add
    # apply_node_func (inside):
    # non-leaf: h = tanh(inside_node_f(node_feat) + inside_reduced_h)
    # leaf (no incoming edges): reduced == 0 -> h = tanh(inside_node_f(node_feat)); identical formula.
    h = jnp.tanh(node_feat @ W_node.T + reduced)
    # inside_exclude_h = inside_reduced_h (zeros for leaves, matched by segment_sum default)
    h_exclude = reduced
    return (h, h_exclude)

if __name__ == "__main__":
    import jax
    _d = setup_inputs()
    print(jax.jit(kernel)(*tuple(_d.values())))

</pallas_src>

<mosaic_0001>
#map = affine_map<(d0, d1) -> (0, 0, 0)>
#map1 = affine_map<(d0, d1) -> (0, 0)>
module attributes {stable_mosaic.version = 14 : i64} {
  func.func @_sc_body(%arg0: i32, %arg1: i32, %arg2: memref<32x184x56xi32, #tpu.memory_space<hbm>>, %arg3: memref<32x184x56xi32, #tpu.memory_space<hbm>>, %arg4: memref<10000x128xf32, #tpu.memory_space<hbm>>, %arg5: memref<56x128xf32, #tpu.memory_space<hbm>>, %arg6: memref<2x10112x128xf32, #tpu.memory_space<hbm>>, %arg7: memref<8x56xi32, #tpu.memory_space<vmem>>, %arg8: memref<8x56xi32, #tpu.memory_space<vmem>>, %arg9: memref<56x128xf32, #tpu.memory_space<vmem>>, %arg10: memref<56x128xf32, #tpu.memory_space<vmem>>, %arg11: memref<56x128xf32, #tpu.memory_space<vmem>>, %arg12: memref<56x128xf32, #tpu.memory_space<vmem>>, %arg13: memref<!tpu.dma_semaphore, #tpu.memory_space<semaphore_mem>>, %arg14: memref<!tpu.dma_semaphore, #tpu.memory_space<semaphore_mem>>, %arg15: memref<!tpu.dma_semaphore, #tpu.memory_space<semaphore_mem>>, %arg16: memref<!tpu.dma_semaphore, #tpu.memory_space<semaphore_mem>>, %arg17: memref<10112x128xf32, #tpu.memory_space<vmem_shared>>) attributes {dimension_semantics = [#tpu.dimension_semantics<core_parallel>, #tpu.dimension_semantics<subcore_parallel>], iteration_bounds = array<i64: 2, 16>, scalar_prefetch = 0 : i64, scratch_operands = 11 : i64, tpu.core_type = #tpu.core_type<sc_vector_subcore>, window_params = [{transform_indices = #map}, {transform_indices = #map}, {transform_indices = #map1}, {transform_indices = #map1}, {transform_indices = #map}]} {
    %mul3A = arith.constant 2 : i32
    %mul3A_0 = arith.muli %arg1, %mul3A : i32
    %add3A = arith.addi %mul3A_0, %arg0 : i32
    %mul3A_1 = arith.constant 632 : i32
    %mul3A_2 = arith.muli %arg1, %mul3A_1 : i32
    "tpu.region"() ({
      %run_scoped3A = tpu.sem_alloc : memref<!tpu.dma_semaphore, #tpu.memory_space<semaphore_mem>>
      tpu.enqueue_dma source(%arg5 : memref<56x128xf32, #tpu.memory_space<hbm>>) target(%arg9 : memref<56x128xf32, #tpu.memory_space<vmem>>) target_semaphore(%run_scoped3A : memref<!tpu.dma_semaphore, #tpu.memory_space<semaphore_mem>>)
      tpu.wait_dma2 semaphore(%run_scoped3A : memref<!tpu.dma_semaphore, #tpu.memory_space<semaphore_mem>>) src(%arg5 : memref<56x128xf32, #tpu.memory_space<hbm>>) dst(%arg9 : memref<56x128xf32, #tpu.memory_space<vmem>>)
      tpu.yield
    }) : () -> ()
    %add3A_3 = arith.constant 0 : i32
    %add3A_4 = arith.addi %mul3A_2, %add3A_3 : i32
    "tpu.region"() ({
      %run_scoped3A = tpu.sem_alloc : memref<!tpu.dma_semaphore, #tpu.memory_space<semaphore_mem>>
      %dma_start3A = arith.constant 0 : i32
      %dma_start3A_81 = arith.constant 0 : i32
      %dma_start3A_82 = tpu.memref_slice %arg9[%dma_start3A, %dma_start3A_81] : memref<56x128xf32, #tpu.memory_space<vmem>> -> memref<56x128xf32, #tpu.memory_space<vmem>>
      %dma_start3A_83 = arith.constant 0 : i32
      %dma_start3A_84 = tpu.memref_slice %arg17[%add3A_4, %dma_start3A_83] : memref<10112x128xf32, #tpu.memory_space<vmem_shared>> -> memref<56x128xf32, #tpu.memory_space<vmem_shared>>
      %dma_start3A_85 = arith.constant 0 : i32
      %dma_start3A_86 = tpu.memref_slice %arg17[%add3A_4, %dma_start3A_85] : memref<10112x128xf32, #tpu.memory_space<vmem_shared>> -> memref<56x128xf32, #tpu.memory_space<vmem_shared>>
      %dma_start3A_87 = arith.constant 0 : i32
      %dma_start3A_88 = arith.constant 0 : i32
      %dma_start3A_89 = tpu.memref_slice %arg9[%dma_start3A_87, %dma_start3A_88] : memref<56x128xf32, #tpu.memory_space<vmem>> -> memref<56x128xf32, #tpu.memory_space<vmem>>
      tpu.enqueue_dma source(%dma_start3A_89 : memref<56x128xf32, #tpu.memory_space<vmem>>) target(%dma_start3A_86 : memref<56x128xf32, #tpu.memory_space<vmem_shared>>) target_semaphore(%run_scoped3A : memref<!tpu.dma_semaphore, #tpu.memory_space<semaphore_mem>>)
      %dma_wait3A = arith.constant 0 : i32
      %dma_wait3A_90 = arith.constant 0 : i32
      %dma_wait3A_91 = tpu.memref_slice %arg9[%dma_wait3A, %dma_wait3A_90] : memref<56x128xf32, #tpu.memory_space<vmem>> -> memref<56x128xf32, #tpu.memory_space<vmem>>
      %dma_wait3A_92 = arith.constant 0 : i32
      %dma_wait3A_93 = tpu.memref_slice %arg17[%add3A_4, %dma_wait3A_92] : memref<10112x128xf32, #tpu.memory_space<vmem_shared>> -> memref<56x128xf32, #tpu.memory_space<vmem_shared>>
      %dma_wait3A_94 = arith.constant 0 : i32
      %dma_wait3A_95 = tpu.memref_slice %arg17[%add3A_4, %dma_wait3A_94] : memref<10112x128xf32, #tpu.memory_space<vmem_shared>> -> memref<56x128xf32, #tpu.memory_space<vmem_shared>>
      %dma_wait3A_96 = arith.constant 0 : i32
      %dma_wait3A_97 = arith.constant 0 : i32
      %dma_wait3A_98 = tpu.memref_slice %arg9[%dma_wait3A_96, %dma_wait3A_97] : memref<56x128xf32, #tpu.memory_space<vmem>> -> memref<56x128xf32, #tpu.memory_space<vmem>>
      tpu.wait_dma2 semaphore(%run_scoped3A : memref<!tpu.dma_semaphore, #tpu.memory_space<semaphore_mem>>) src(%dma_wait3A_98 : memref<56x128xf32, #tpu.memory_space<vmem>>) dst(%dma_wait3A_95 : memref<56x128xf32, #tpu.memory_space<vmem_shared>>)
      tpu.yield
    }) : () -> ()
    %add3A_5 = arith.constant 56 : i32
    %add3A_6 = arith.addi %mul3A_2, %add3A_5 : i32
    "tpu.region"() ({
      %run_scoped3A = tpu.sem_alloc : memref<!tpu.dma_semaphore, #tpu.memory_space<semaphore_mem>>
      %dma_start3A = arith.constant 0 : i32
      %dma_start3A_81 = arith.constant 0 : i32
      %dma_start3A_82 = tpu.memref_slice %arg9[%dma_start3A, %dma_start3A_81] : memref<56x128xf32, #tpu.memory_space<vmem>> -> memref<56x128xf32, #tpu.memory_space<vmem>>
      %dma_start3A_83 = arith.constant 0 : i32
      %dma_start3A_84 = tpu.memref_slice %arg17[%add3A_6, %dma_start3A_83] : memref<10112x128xf32, #tpu.memory_space<vmem_shared>> -> memref<56x128xf32, #tpu.memory_space<vmem_shared>>
      %dma_start3A_85 = arith.constant 0 : i32
      %dma_start3A_86 = tpu.memref_slice %arg17[%add3A_6, %dma_start3A_85] : memref<10112x128xf32, #tpu.memory_space<vmem_shared>> -> memref<56x128xf32, #tpu.memory_space<vmem_shared>>
      %dma_start3A_87 = arith.constant 0 : i32
      %dma_start3A_88 = arith.constant 0 : i32
      %dma_start3A_89 = tpu.memref_slice %arg9[%dma_start3A_87, %dma_start3A_88] : memref<56x128xf32, #tpu.memory_space<vmem>> -> memref<56x128xf32, #tpu.memory_space<vmem>>
      tpu.enqueue_dma source(%dma_start3A_89 : memref<56x128xf32, #tpu.memory_space<vmem>>) target(%dma_start3A_86 : memref<56x128xf32, #tpu.memory_space<vmem_shared>>) target_semaphore(%run_scoped3A : memref<!tpu.dma_semaphore, #tpu.memory_space<semaphore_mem>>)
      %dma_wait3A = arith.constant 0 : i32
      %dma_wait3A_90 = arith.constant 0 : i32
      %dma_wait3A_91 = tpu.memref_slice %arg9[%dma_wait3A, %dma_wait3A_90] : memref<56x128xf32, #tpu.memory_space<vmem>> -> memref<56x128xf32, #tpu.memory_space<vmem>>
      %dma_wait3A_92 = arith.constant 0 : i32
      %dma_wait3A_93 = tpu.memref_slice %arg17[%add3A_6, %dma_wait3A_92] : memref<10112x128xf32, #tpu.memory_space<vmem_shared>> -> memref<56x128xf32, #tpu.memory_space<vmem_shared>>
      %dma_wait3A_94 = arith.constant 0 : i32
      %dma_wait3A_95 = tpu.memref_slice %arg17[%add3A_6, %dma_wait3A_94] : memref<10112x128xf32, #tpu.memory_space<vmem_shared>> -> memref<56x128xf32, #tpu.memory_space<vmem_shared>>
      %dma_wait3A_96 = arith.constant 0 : i32
      %dma_wait3A_97 = arith.constant 0 : i32
      %dma_wait3A_98 = tpu.memref_slice %arg9[%dma_wait3A_96, %dma_wait3A_97] : memref<56x128xf32, #tpu.memory_space<vmem>> -> memref<56x128xf32, #tpu.memory_space<vmem>>
      tpu.wait_dma2 semaphore(%run_scoped3A : memref<!tpu.dma_semaphore, #tpu.memory_space<semaphore_mem>>) src(%dma_wait3A_98 : memref<56x128xf32, #tpu.memory_space<vmem>>) dst(%dma_wait3A_95 : memref<56x128xf32, #tpu.memory_space<vmem_shared>>)
      tpu.yield
    }) : () -> ()
    %add3A_7 = arith.constant 112 : i32
    %add3A_8 = arith.addi %mul3A_2, %add3A_7 : i32
    "tpu.region"() ({
      %run_scoped3A = tpu.sem_alloc : memref<!tpu.dma_semaphore, #tpu.memory_space<semaphore_mem>>
      %dma_start3A = arith.constant 0 : i32
      %dma_start3A_81 = arith.constant 0 : i32
      %dma_start3A_82 = tpu.memref_slice %arg9[%dma_start3A, %dma_start3A_81] : memref<56x128xf32, #tpu.memory_space<vmem>> -> memref<56x128xf32, #tpu.memory_space<vmem>>
      %dma_start3A_83 = arith.constant 0 : i32
      %dma_start3A_84 = tpu.memref_slice %arg17[%add3A_8, %dma_start3A_83] : memref<10112x128xf32, #tpu.memory_space<vmem_shared>> -> memref<56x128xf32, #tpu.memory_space<vmem_shared>>
      %dma_start3A_85 = arith.constant 0 : i32
      %dma_start3A_86 = tpu.memref_slice %arg17[%add3A_8, %dma_start3A_85] : memref<10112x128xf32, #tpu.memory_space<vmem_shared>> -> memref<56x128xf32, #tpu.memory_space<vmem_shared>>
      %dma_start3A_87 = arith.constant 0 : i32
      %dma_start3A_88 = arith.constant 0 : i32
      %dma_start3A_89 = tpu.memref_slice %arg9[%dma_start3A_87, %dma_start3A_88] : memref<56x128xf32, #tpu.memory_space<vmem>> -> memref<56x128xf32, #tpu.memory_space<vmem>>
      tpu.enqueue_dma source(%dma_start3A_89 : memref<56x128xf32, #tpu.memory_space<vmem>>) target(%dma_start3A_86 : memref<56x128xf32, #tpu.memory_space<vmem_shared>>) target_semaphore(%run_scoped3A : memref<!tpu.dma_semaphore, #tpu.memory_space<semaphore_mem>>)
      %dma_wait3A = arith.constant 0 : i32
      %dma_wait3A_90 = arith.constant 0 : i32
      %dma_wait3A_91 = tpu.memref_slice %arg9[%dma_wait3A, %dma_wait3A_90] : memref<56x128xf32, #tpu.memory_space<vmem>> -> memref<56x128xf32, #tpu.memory_space<vmem>>
      %dma_wait3A_92 = arith.constant 0 : i32
      %dma_wait3A_93 = tpu.memref_slice %arg17[%add3A_8, %dma_wait3A_92] : memref<10112x128xf32, #tpu.memory_space<vmem_shared>> -> memref<56x128xf32, #tpu.memory_space<vmem_shared>>
      %dma_wait3A_94 = arith.constant 0 : i32
      %dma_wait3A_95 = tpu.memref_slice %arg17[%add3A_8, %dma_wait3A_94] : memref<10112x128xf32, #tpu.memory_space<vmem_shared>> -> memref<56x128xf32, #tpu.memory_space<vmem_shared>>
      %dma_wait3A_96 = arith.constant 0 : i32
      %dma_wait3A_97 = arith.constant 0 : i32
      %dma_wait3A_98 = tpu.memref_slice %arg9[%dma_wait3A_96, %dma_wait3A_97] : memref<56x128xf32, #tpu.memory_space<vmem>> -> memref<56x128xf32, #tpu.memory_space<vmem>>
      tpu.wait_dma2 semaphore(%run_scoped3A : memref<!tpu.dma_semaphore, #tpu.memory_space<semaphore_mem>>) src(%dma_wait3A_98 : memref<56x128xf32, #tpu.memory_space<vmem>>) dst(%dma_wait3A_95 : memref<56x128xf32, #tpu.memory_space<vmem_shared>>)
      tpu.yield
    }) : () -> ()
    %add3A_9 = arith.constant 168 : i32
    %add3A_10 = arith.addi %mul3A_2, %add3A_9 : i32
    "tpu.region"() ({
      %run_scoped3A = tpu.sem_alloc : memref<!tpu.dma_semaphore, #tpu.memory_space<semaphore_mem>>
      %dma_start3A = arith.constant 0 : i32
      %dma_start3A_81 = arith.constant 0 : i32
      %dma_start3A_82 = tpu.memref_slice %arg9[%dma_start3A, %dma_start3A_81] : memref<56x128xf32, #tpu.memory_space<vmem>> -> memref<56x128xf32, #tpu.memory_space<vmem>>
      %dma_start3A_83 = arith.constant 0 : i32
      %dma_start3A_84 = tpu.memref_slice %arg17[%add3A_10, %dma_start3A_83] : memref<10112x128xf32, #tpu.memory_space<vmem_shared>> -> memref<56x128xf32, #tpu.memory_space<vmem_shared>>
      %dma_start3A_85 = arith.constant 0 : i32
      %dma_start3A_86 = tpu.memref_slice %arg17[%add3A_10, %dma_start3A_85] : memref<10112x128xf32, #tpu.memory_space<vmem_shared>> -> memref<56x128xf32, #tpu.memory_space<vmem_shared>>
      %dma_start3A_87 = arith.constant 0 : i32
      %dma_start3A_88 = arith.constant 0 : i32
      %dma_start3A_89 = tpu.memref_slice %arg9[%dma_start3A_87, %dma_start3A_88] : memref<56x128xf32, #tpu.memory_space<vmem>> -> memref<56x128xf32, #tpu.memory_space<vmem>>
      tpu.enqueue_dma source(%dma_start3A_89 : memref<56x128xf32, #tpu.memory_space<vmem>>) target(%dma_start3A_86 : memref<56x128xf32, #tpu.memory_space<vmem_shared>>) target_semaphore(%run_scoped3A : memref<!tpu.dma_semaphore, #tpu.memory_space<semaphore_mem>>)
      %dma_wait3A = arith.constant 0 : i32
      %dma_wait3A_90 = arith.constant 0 : i32
      %dma_wait3A_91 = tpu.memref_slice %arg9[%dma_wait3A, %dma_wait3A_90] : memref<56x128xf32, #tpu.memory_space<vmem>> -> memref<56x128xf32, #tpu.memory_space<vmem>>
      %dma_wait3A_92 = arith.constant 0 : i32
      %dma_wait3A_93 = tpu.memref_slice %arg17[%add3A_10, %dma_wait3A_92] : memref<10112x128xf32, #tpu.memory_space<vmem_shared>> -> memref<56x128xf32, #tpu.memory_space<vmem_shared>>
      %dma_wait3A_94 = arith.constant 0 : i32
      %dma_wait3A_95 = tpu.memref_slice %arg17[%add3A_10, %dma_wait3A_94] : memref<10112x128xf32, #tpu.memory_space<vmem_shared>> -> memref<56x128xf32, #tpu.memory_space<vmem_shared>>
      %dma_wait3A_96 = arith.constant 0 : i32
      %dma_wait3A_97 = arith.constant 0 : i32
      %dma_wait3A_98 = tpu.memref_slice %arg9[%dma_wait3A_96, %dma_wait3A_97] : memref<56x128xf32, #tpu.memory_space<vmem>> -> memref<56x128xf32, #tpu.memory_space<vmem>>
      tpu.wait_dma2 semaphore(%run_scoped3A : memref<!tpu.dma_semaphore, #tpu.memory_space<semaphore_mem>>) src(%dma_wait3A_98 : memref<56x128xf32, #tpu.memory_space<vmem>>) dst(%dma_wait3A_95 : memref<56x128xf32, #tpu.memory_space<vmem_shared>>)
      tpu.yield
    }) : () -> ()
    %add3A_11 = arith.constant 224 : i32
    %add3A_12 = arith.addi %mul3A_2, %add3A_11 : i32
    "tpu.region"() ({
      %run_scoped3A = tpu.sem_alloc : memref<!tpu.dma_semaphore, #tpu.memory_space<semaphore_mem>>
      %dma_start3A = arith.constant 0 : i32
      %dma_start3A_81 = arith.constant 0 : i32
      %dma_start3A_82 = tpu.memref_slice %arg9[%dma_start3A, %dma_start3A_81] : memref<56x128xf32, #tpu.memory_space<vmem>> -> memref<56x128xf32, #tpu.memory_space<vmem>>
      %dma_start3A_83 = arith.constant 0 : i32
      %dma_start3A_84 = tpu.memref_slice %arg17[%add3A_12, %dma_start3A_83] : memref<10112x128xf32, #tpu.memory_space<vmem_shared>> -> memref<56x128xf32, #tpu.memory_space<vmem_shared>>
      %dma_start3A_85 = arith.constant 0 : i32
      %dma_start3A_86 = tpu.memref_slice %arg17[%add3A_12, %dma_start3A_85] : memref<10112x128xf32, #tpu.memory_space<vmem_shared>> -> memref<56x128xf32, #tpu.memory_space<vmem_shared>>
      %dma_start3A_87 = arith.constant 0 : i32
      %dma_start3A_88 = arith.constant 0 : i32
      %dma_start3A_89 = tpu.memref_slice %arg9[%dma_start3A_87, %dma_start3A_88] : memref<56x128xf32, #tpu.memory_space<vmem>> -> memref<56x128xf32, #tpu.memory_space<vmem>>
      tpu.enqueue_dma source(%dma_start3A_89 : memref<56x128xf32, #tpu.memory_space<vmem>>) target(%dma_start3A_86 : memref<56x128xf32, #tpu.memory_space<vmem_shared>>) target_semaphore(%run_scoped3A : memref<!tpu.dma_semaphore, #tpu.memory_space<semaphore_mem>>)
      %dma_wait3A = arith.constant 0 : i32
      %dma_wait3A_90 = arith.constant 0 : i32
      %dma_wait3A_91 = tpu.memref_slice %arg9[%dma_wait3A, %dma_wait3A_90] : memref<56x128xf32, #tpu.memory_space<vmem>> -> memref<56x128xf32, #tpu.memory_space<vmem>>
      %dma_wait3A_92 = arith.constant 0 : i32
      %dma_wait3A_93 = tpu.memref_slice %arg17[%add3A_12, %dma_wait3A_92] : memref<10112x128xf32, #tpu.memory_space<vmem_shared>> -> memref<56x128xf32, #tpu.memory_space<vmem_shared>>
      %dma_wait3A_94 = arith.constant 0 : i32
      %dma_wait3A_95 = tpu.memref_slice %arg17[%add3A_12, %dma_wait3A_94] : memref<10112x128xf32, #tpu.memory_space<vmem_shared>> -> memref<56x128xf32, #tpu.memory_space<vmem_shared>>
      %dma_wait3A_96 = arith.constant 0 : i32
      %dma_wait3A_97 = arith.constant 0 : i32
      %dma_wait3A_98 = tpu.memref_slice %arg9[%dma_wait3A_96, %dma_wait3A_97] : memref<56x128xf32, #tpu.memory_space<vmem>> -> memref<56x128xf32, #tpu.memory_space<vmem>>
      tpu.wait_dma2 semaphore(%run_scoped3A : memref<!tpu.dma_semaphore, #tpu.memory_space<semaphore_mem>>) src(%dma_wait3A_98 : memref<56x128xf32, #tpu.memory_space<vmem>>) dst(%dma_wait3A_95 : memref<56x128xf32, #tpu.memory_space<vmem_shared>>)
      tpu.yield
    }) : () -> ()
    %add3A_13 = arith.constant 280 : i32
    %add3A_14 = arith.addi %mul3A_2, %add3A_13 : i32
    "tpu.region"() ({
      %run_scoped3A = tpu.sem_alloc : memref<!tpu.dma_semaphore, #tpu.memory_space<semaphore_mem>>
      %dma_start3A = arith.constant 0 : i32
      %dma_start3A_81 = arith.constant 0 : i32
      %dma_start3A_82 = tpu.memref_slice %arg9[%dma_start3A, %dma_start3A_81] : memref<56x128xf32, #tpu.memory_space<vmem>> -> memref<56x128xf32, #tpu.memory_space<vmem>>
      %dma_start3A_83 = arith.constant 0 : i32
      %dma_start3A_84 = tpu.memref_slice %arg17[%add3A_14, %dma_start3A_83] : memref<10112x128xf32, #tpu.memory_space<vmem_shared>> -> memref<56x128xf32, #tpu.memory_space<vmem_shared>>
      %dma_start3A_85 = arith.constant 0 : i32
      %dma_start3A_86 = tpu.memref_slice %arg17[%add3A_14, %dma_start3A_85] : memref<10112x128xf32, #tpu.memory_space<vmem_shared>> -> memref<56x128xf32, #tpu.memory_space<vmem_shared>>
      %dma_start3A_87 = arith.constant 0 : i32
      %dma_start3A_88 = arith.constant 0 : i32
      %dma_start3A_89 = tpu.memref_slice %arg9[%dma_start3A_87, %dma_start3A_88] : memref<56x128xf32, #tpu.memory_space<vmem>> -> memref<56x128xf32, #tpu.memory_space<vmem>>
      tpu.enqueue_dma source(%dma_start3A_89 : memref<56x128xf32, #tpu.memory_space<vmem>>) target(%dma_start3A_86 : memref<56x128xf32, #tpu.memory_space<vmem_shared>>) target_semaphore(%run_scoped3A : memref<!tpu.dma_semaphore, #tpu.memory_space<semaphore_mem>>)
      %dma_wait3A = arith.constant 0 : i32
      %dma_wait3A_90 = arith.constant 0 : i32
      %dma_wait3A_91 = tpu.memref_slice %arg9[%dma_wait3A, %dma_wait3A_90] : memref<56x128xf32, #tpu.memory_space<vmem>> -> memref<56x128xf32, #tpu.memory_space<vmem>>
      %dma_wait3A_92 = arith.constant 0 : i32
      %dma_wait3A_93 = tpu.memref_slice %arg17[%add3A_14, %dma_wait3A_92] : memref<10112x128xf32, #tpu.memory_space<vmem_shared>> -> memref<56x128xf32, #tpu.memory_space<vmem_shared>>
      %dma_wait3A_94 = arith.constant 0 : i32
      %dma_wait3A_95 = tpu.memref_slice %arg17[%add3A_14, %dma_wait3A_94] : memref<10112x128xf32, #tpu.memory_space<vmem_shared>> -> memref<56x128xf32, #tpu.memory_space<vmem_shared>>
      %dma_wait3A_96 = arith.constant 0 : i32
      %dma_wait3A_97 = arith.constant 0 : i32
      %dma_wait3A_98 = tpu.memref_slice %arg9[%dma_wait3A_96, %dma_wait3A_97] : memref<56x128xf32, #tpu.memory_space<vmem>> -> memref<56x128xf32, #tpu.memory_space<vmem>>
      tpu.wait_dma2 semaphore(%run_scoped3A : memref<!tpu.dma_semaphore, #tpu.memory_space<semaphore_mem>>) src(%dma_wait3A_98 : memref<56x128xf32, #tpu.memory_space<vmem>>) dst(%dma_wait3A_95 : memref<56x128xf32, #tpu.memory_space<vmem_shared>>)
      tpu.yield
    }) : () -> ()
    %add3A_15 = arith.constant 336 : i32
    %add3A_16 = arith.addi %mul3A_2, %add3A_15 : i32
    "tpu.region"() ({
      %run_scoped3A = tpu.sem_alloc : memref<!tpu.dma_semaphore, #tpu.memory_space<semaphore_mem>>
      %dma_start3A = arith.constant 0 : i32
      %dma_start3A_81 = arith.constant 0 : i32
      %dma_start3A_82 = tpu.memref_slice %arg9[%dma_start3A, %dma_start3A_81] : memref<56x128xf32, #tpu.memory_space<vmem>> -> memref<56x128xf32, #tpu.memory_space<vmem>>
      %dma_start3A_83 = arith.constant 0 : i32
      %dma_start3A_84 = tpu.memref_slice %arg17[%add3A_16, %dma_start3A_83] : memref<10112x128xf32, #tpu.memory_space<vmem_shared>> -> memref<56x128xf32, #tpu.memory_space<vmem_shared>>
      %dma_start3A_85 = arith.constant 0 : i32
      %dma_start3A_86 = tpu.memref_slice %arg17[%add3A_16, %dma_start3A_85] : memref<10112x128xf32, #tpu.memory_space<vmem_shared>> -> memref<56x128xf32, #tpu.memory_space<vmem_shared>>
      %dma_start3A_87 = arith.constant 0 : i32
      %dma_start3A_88 = arith.constant 0 : i32
      %dma_start3A_89 = tpu.memref_slice %arg9[%dma_start3A_87, %dma_start3A_88] : memref<56x128xf32, #tpu.memory_space<vmem>> -> memref<56x128xf32, #tpu.memory_space<vmem>>
      tpu.enqueue_dma source(%dma_start3A_89 : memref<56x128xf32, #tpu.memory_space<vmem>>) target(%dma_start3A_86 : memref<56x128xf32, #tpu.memory_space<vmem_shared>>) target_semaphore(%run_scoped3A : memref<!tpu.dma_semaphore, #tpu.memory_space<semaphore_mem>>)
      %dma_wait3A = arith.constant 0 : i32
      %dma_wait3A_90 = arith.constant 0 : i32
      %dma_wait3A_91 = tpu.memref_slice %arg9[%dma_wait3A, %dma_wait3A_90] : memref<56x128xf32, #tpu.memory_space<vmem>> -> memref<56x128xf32, #tpu.memory_space<vmem>>
      %dma_wait3A_92 = arith.constant 0 : i32
      %dma_wait3A_93 = tpu.memref_slice %arg17[%add3A_16, %dma_wait3A_92] : memref<10112x128xf32, #tpu.memory_space<vmem_shared>> -> memref<56x128xf32, #tpu.memory_space<vmem_shared>>
      %dma_wait3A_94 = arith.constant 0 : i32
      %dma_wait3A_95 = tpu.memref_slice %arg17[%add3A_16, %dma_wait3A_94] : memref<10112x128xf32, #tpu.memory_space<vmem_shared>> -> memref<56x128xf32, #tpu.memory_space<vmem_shared>>
      %dma_wait3A_96 = arith.constant 0 : i32
      %dma_wait3A_97 = arith.constant 0 : i32
      %dma_wait3A_98 = tpu.memref_slice %arg9[%dma_wait3A_96, %dma_wait3A_97] : memref<56x128xf32, #tpu.memory_space<vmem>> -> memref<56x128xf32, #tpu.memory_space<vmem>>
      tpu.wait_dma2 semaphore(%run_scoped3A : memref<!tpu.dma_semaphore, #tpu.memory_space<semaphore_mem>>) src(%dma_wait3A_98 : memref<56x128xf32, #tpu.memory_space<vmem>>) dst(%dma_wait3A_95 : memref<56x128xf32, #tpu.memory_space<vmem_shared>>)
      tpu.yield
    }) : () -> ()
    %add3A_17 = arith.constant 392 : i32
    %add3A_18 = arith.addi %mul3A_2, %add3A_17 : i32
    "tpu.region"() ({
      %run_scoped3A = tpu.sem_alloc : memref<!tpu.dma_semaphore, #tpu.memory_space<semaphore_mem>>
      %dma_start3A = arith.constant 0 : i32
      %dma_start3A_81 = arith.constant 0 : i32
      %dma_start3A_82 = tpu.memref_slice %arg9[%dma_start3A, %dma_start3A_81] : memref<56x128xf32, #tpu.memory_space<vmem>> -> memref<56x128xf32, #tpu.memory_space<vmem>>
      %dma_start3A_83 = arith.constant 0 : i32
      %dma_start3A_84 = tpu.memref_slice %arg17[%add3A_18, %dma_start3A_83] : memref<10112x128xf32, #tpu.memory_space<vmem_shared>> -> memref<56x128xf32, #tpu.memory_space<vmem_shared>>
      %dma_start3A_85 = arith.constant 0 : i32
      %dma_start3A_86 = tpu.memref_slice %arg17[%add3A_18, %dma_start3A_85] : memref<10112x128xf32, #tpu.memory_space<vmem_shared>> -> memref<56x128xf32, #tpu.memory_space<vmem_shared>>
      %dma_start3A_87 = arith.constant 0 : i32
      %dma_start3A_88 = arith.constant 0 : i32
      %dma_start3A_89 = tpu.memref_slice %arg9[%dma_start3A_87, %dma_start3A_88] : memref<56x128xf32, #tpu.memory_space<vmem>> -> memref<56x128xf32, #tpu.memory_space<vmem>>
      tpu.enqueue_dma source(%dma_start3A_89 : memref<56x128xf32, #tpu.memory_space<vmem>>) target(%dma_start3A_86 : memref<56x128xf32, #tpu.memory_space<vmem_shared>>) target_semaphore(%run_scoped3A : memref<!tpu.dma_semaphore, #tpu.memory_space<semaphore_mem>>)
      %dma_wait3A = arith.constant 0 : i32
      %dma_wait3A_90 = arith.constant 0 : i32
      %dma_wait3A_91 = tpu.memref_slice %arg9[%dma_wait3A, %dma_wait3A_90] : memref<56x128xf32, #tpu.memory_space<vmem>> -> memref<56x128xf32, #tpu.memory_space<vmem>>
      %dma_wait3A_92 = arith.constant 0 : i32
      %dma_wait3A_93 = tpu.memref_slice %arg17[%add3A_18, %dma_wait3A_92] : memref<10112x128xf32, #tpu.memory_space<vmem_shared>> -> memref<56x128xf32, #tpu.memory_space<vmem_shared>>
      %dma_wait3A_94 = arith.constant 0 : i32
      %dma_wait3A_95 = tpu.memref_slice %arg17[%add3A_18, %dma_wait3A_94] : memref<10112x128xf32, #tpu.memory_space<vmem_shared>> -> memref<56x128xf32, #tpu.memory_space<vmem_shared>>
      %dma_wait3A_96 = arith.constant 0 : i32
      %dma_wait3A_97 = arith.constant 0 : i32
      %dma_wait3A_98 = tpu.memref_slice %arg9[%dma_wait3A_96, %dma_wait3A_97] : memref<56x128xf32, #tpu.memory_space<vmem>> -> memref<56x128xf32, #tpu.memory_space<vmem>>
      tpu.wait_dma2 semaphore(%run_scoped3A : memref<!tpu.dma_semaphore, #tpu.memory_space<semaphore_mem>>) src(%dma_wait3A_98 : memref<56x128xf32, #tpu.memory_space<vmem>>) dst(%dma_wait3A_95 : memref<56x128xf32, #tpu.memory_space<vmem_shared>>)
      tpu.yield
    }) : () -> ()
    %add3A_19 = arith.constant 448 : i32
    %add3A_20 = arith.addi %mul3A_2, %add3A_19 : i32
    "tpu.region"() ({
      %run_scoped3A = tpu.sem_alloc : memref<!tpu.dma_semaphore, #tpu.memory_space<semaphore_mem>>
      %dma_start3A = arith.constant 0 : i32
      %dma_start3A_81 = arith.constant 0 : i32
      %dma_start3A_82 = tpu.memref_slice %arg9[%dma_start3A, %dma_start3A_81] : memref<56x128xf32, #tpu.memory_space<vmem>> -> memref<56x128xf32, #tpu.memory_space<vmem>>
      %dma_start3A_83 = arith.constant 0 : i32
      %dma_start3A_84 = tpu.memref_slice %arg17[%add3A_20, %dma_start3A_83] : memref<10112x128xf32, #tpu.memory_space<vmem_shared>> -> memref<56x128xf32, #tpu.memory_space<vmem_shared>>
      %dma_start3A_85 = arith.constant 0 : i32
      %dma_start3A_86 = tpu.memref_slice %arg17[%add3A_20, %dma_start3A_85] : memref<10112x128xf32, #tpu.memory_space<vmem_shared>> -> memref<56x128xf32, #tpu.memory_space<vmem_shared>>
      %dma_start3A_87 = arith.constant 0 : i32
      %dma_start3A_88 = arith.constant 0 : i32
      %dma_start3A_89 = tpu.memref_slice %arg9[%dma_start3A_87, %dma_start3A_88] : memref<56x128xf32, #tpu.memory_space<vmem>> -> memref<56x128xf32, #tpu.memory_space<vmem>>
      tpu.enqueue_dma source(%dma_start3A_89 : memref<56x128xf32, #tpu.memory_space<vmem>>) target(%dma_start3A_86 : memref<56x128xf32, #tpu.memory_space<vmem_shared>>) target_semaphore(%run_scoped3A : memref<!tpu.dma_semaphore, #tpu.memory_space<semaphore_mem>>)
      %dma_wait3A = arith.constant 0 : i32
      %dma_wait3A_90 = arith.constant 0 : i32
      %dma_wait3A_91 = tpu.memref_slice %arg9[%dma_wait3A, %dma_wait3A_90] : memref<56x128xf32, #tpu.memory_space<vmem>> -> memref<56x128xf32, #tpu.memory_space<vmem>>
      %dma_wait3A_92 = arith.constant 0 : i32
      %dma_wait3A_93 = tpu.memref_slice %arg17[%add3A_20, %dma_wait3A_92] : memref<10112x128xf32, #tpu.memory_space<vmem_shared>> -> memref<56x128xf32, #tpu.memory_space<vmem_shared>>
      %dma_wait3A_94 = arith.constant 0 : i32
      %dma_wait3A_95 = tpu.memref_slice %arg17[%add3A_20, %dma_wait3A_94] : memref<10112x128xf32, #tpu.memory_space<vmem_shared>> -> memref<56x128xf32, #tpu.memory_space<vmem_shared>>
      %dma_wait3A_96 = arith.constant 0 : i32
      %dma_wait3A_97 = arith.constant 0 : i32
      %dma_wait3A_98 = tpu.memref_slice %arg9[%dma_wait3A_96, %dma_wait3A_97] : memref<56x128xf32, #tpu.memory_space<vmem>> -> memref<56x128xf32, #tpu.memory_space<vmem>>
      tpu.wait_dma2 semaphore(%run_scoped3A : memref<!tpu.dma_semaphore, #tpu.memory_space<semaphore_mem>>) src(%dma_wait3A_98 : memref<56x128xf32, #tpu.memory_space<vmem>>) dst(%dma_wait3A_95 : memref<56x128xf32, #tpu.memory_space<vmem_shared>>)
      tpu.yield
    }) : () -> ()
    %add3A_21 = arith.constant 504 : i32
    %add3A_22 = arith.addi %mul3A_2, %add3A_21 : i32
    "tpu.region"() ({
      %run_scoped3A = tpu.sem_alloc : memref<!tpu.dma_semaphore, #tpu.memory_space<semaphore_mem>>
      %dma_start3A = arith.constant 0 : i32
      %dma_start3A_81 = arith.constant 0 : i32
      %dma_start3A_82 = tpu.memref_slice %arg9[%dma_start3A, %dma_start3A_81] : memref<56x128xf32, #tpu.memory_space<vmem>> -> memref<56x128xf32, #tpu.memory_space<vmem>>
      %dma_start3A_83 = arith.constant 0 : i32
      %dma_start3A_84 = tpu.memref_slice %arg17[%add3A_22, %dma_start3A_83] : memref<10112x128xf32, #tpu.memory_space<vmem_shared>> -> memref<56x128xf32, #tpu.memory_space<vmem_shared>>
      %dma_start3A_85 = arith.constant 0 : i32
      %dma_start3A_86 = tpu.memref_slice %arg17[%add3A_22, %dma_start3A_85] : memref<10112x128xf32, #tpu.memory_space<vmem_shared>> -> memref<56x128xf32, #tpu.memory_space<vmem_shared>>
      %dma_start3A_87 = arith.constant 0 : i32
      %dma_start3A_88 = arith.constant 0 : i32
      %dma_start3A_89 = tpu.memref_slice %arg9[%dma_start3A_87, %dma_start3A_88] : memref<56x128xf32, #tpu.memory_space<vmem>> -> memref<56x128xf32, #tpu.memory_space<vmem>>
      tpu.enqueue_dma source(%dma_start3A_89 : memref<56x128xf32, #tpu.memory_space<vmem>>) target(%dma_start3A_86 : memref<56x128xf32, #tpu.memory_space<vmem_shared>>) target_semaphore(%run_scoped3A : memref<!tpu.dma_semaphore, #tpu.memory_space<semaphore_mem>>)
      %dma_wait3A = arith.constant 0 : i32
      %dma_wait3A_90 = arith.constant 0 : i32
      %dma_wait3A_91 = tpu.memref_slice %arg9[%dma_wait3A, %dma_wait3A_90] : memref<56x128xf32, #tpu.memory_space<vmem>> -> memref<56x128xf32, #tpu.memory_space<vmem>>
      %dma_wait3A_92 = arith.constant 0 : i32
      %dma_wait3A_93 = tpu.memref_slice %arg17[%add3A_22, %dma_wait3A_92] : memref<10112x128xf32, #tpu.memory_space<vmem_shared>> -> memref<56x128xf32, #tpu.memory_space<vmem_shared>>
      %dma_wait3A_94 = arith.constant 0 : i32
      %dma_wait3A_95 = tpu.memref_slice %arg17[%add3A_22, %dma_wait3A_94] : memref<10112x128xf32, #tpu.memory_space<vmem_shared>> -> memref<56x128xf32, #tpu.memory_space<vmem_shared>>
      %dma_wait3A_96 = arith.constant 0 : i32
      %dma_wait3A_97 = arith.constant 0 : i32
      %dma_wait3A_98 = tpu.memref_slice %arg9[%dma_wait3A_96, %dma_wait3A_97] : memref<56x128xf32, #tpu.memory_space<vmem>> -> memref<56x128xf32, #tpu.memory_space<vmem>>
      tpu.wait_dma2 semaphore(%run_scoped3A : memref<!tpu.dma_semaphore, #tpu.memory_space<semaphore_mem>>) src(%dma_wait3A_98 : memref<56x128xf32, #tpu.memory_space<vmem>>) dst(%dma_wait3A_95 : memref<56x128xf32, #tpu.memory_space<vmem_shared>>)
      tpu.yield
    }) : () -> ()
    %add3A_23 = arith.constant 560 : i32
    %add3A_24 = arith.addi %mul3A_2, %add3A_23 : i32
    "tpu.region"() ({
      %run_scoped3A = tpu.sem_alloc : memref<!tpu.dma_semaphore, #tpu.memory_space<semaphore_mem>>
      %dma_start3A = arith.constant 0 : i32
      %dma_start3A_81 = arith.constant 0 : i32
      %dma_start3A_82 = tpu.memref_slice %arg9[%dma_start3A, %dma_start3A_81] : memref<56x128xf32, #tpu.memory_space<vmem>> -> memref<56x128xf32, #tpu.memory_space<vmem>>
      %dma_start3A_83 = arith.constant 0 : i32
      %dma_start3A_84 = tpu.memref_slice %arg17[%add3A_24, %dma_start3A_83] : memref<10112x128xf32, #tpu.memory_space<vmem_shared>> -> memref<56x128xf32, #tpu.memory_space<vmem_shared>>
      %dma_start3A_85 = arith.constant 0 : i32
      %dma_start3A_86 = tpu.memref_slice %arg17[%add3A_24, %dma_start3A_85] : memref<10112x128xf32, #tpu.memory_space<vmem_shared>> -> memref<56x128xf32, #tpu.memory_space<vmem_shared>>
      %dma_start3A_87 = arith.constant 0 : i32
      %dma_start3A_88 = arith.constant 0 : i32
      %dma_start3A_89 = tpu.memref_slice %arg9[%dma_start3A_87, %dma_start3A_88] : memref<56x128xf32, #tpu.memory_space<vmem>> -> memref<56x128xf32, #tpu.memory_space<vmem>>
      tpu.enqueue_dma source(%dma_start3A_89 : memref<56x128xf32, #tpu.memory_space<vmem>>) target(%dma_start3A_86 : memref<56x128xf32, #tpu.memory_space<vmem_shared>>) target_semaphore(%run_scoped3A : memref<!tpu.dma_semaphore, #tpu.memory_space<semaphore_mem>>)
      %dma_wait3A = arith.constant 0 : i32
      %dma_wait3A_90 = arith.constant 0 : i32
      %dma_wait3A_91 = tpu.memref_slice %arg9[%dma_wait3A, %dma_wait3A_90] : memref<56x128xf32, #tpu.memory_space<vmem>> -> memref<56x128xf32, #tpu.memory_space<vmem>>
      %dma_wait3A_92 = arith.constant 0 : i32
      %dma_wait3A_93 = tpu.memref_slice %arg17[%add3A_24, %dma_wait3A_92] : memref<10112x128xf32, #tpu.memory_space<vmem_shared>> -> memref<56x128xf32, #tpu.memory_space<vmem_shared>>
      %dma_wait3A_94 = arith.constant 0 : i32
      %dma_wait3A_95 = tpu.memref_slice %arg17[%add3A_24, %dma_wait3A_94] : memref<10112x128xf32, #tpu.memory_space<vmem_shared>> -> memref<56x128xf32, #tpu.memory_space<vmem_shared>>
      %dma_wait3A_96 = arith.constant 0 : i32
      %dma_wait3A_97 = arith.constant 0 : i32
      %dma_wait3A_98 = tpu.memref_slice %arg9[%dma_wait3A_96, %dma_wait3A_97] : memref<56x128xf32, #tpu.memory_space<vmem>> -> memref<56x128xf32, #tpu.memory_space<vmem>>
      tpu.wait_dma2 semaphore(%run_scoped3A : memref<!tpu.dma_semaphore, #tpu.memory_space<semaphore_mem>>) src(%dma_wait3A_98 : memref<56x128xf32, #tpu.memory_space<vmem>>) dst(%dma_wait3A_95 : memref<56x128xf32, #tpu.memory_space<vmem_shared>>)
      tpu.yield
    }) : () -> ()
    %add3A_25 = arith.constant 616 : i32
    %add3A_26 = arith.addi %mul3A_2, %add3A_25 : i32
    "tpu.region"() ({
      %run_scoped3A = tpu.sem_alloc : memref<!tpu.dma_semaphore, #tpu.memory_space<semaphore_mem>>
      %dma_start3A = arith.constant 0 : i32
      %dma_start3A_81 = arith.constant 0 : i32
      %dma_start3A_82 = tpu.memref_slice %arg9[%dma_start3A, %dma_start3A_81] : memref<56x128xf32, #tpu.memory_space<vmem>> -> memref<16x128xf32, #tpu.memory_space<vmem>>
      %dma_start3A_83 = arith.constant 0 : i32
      %dma_start3A_84 = tpu.memref_slice %arg17[%add3A_26, %dma_start3A_83] : memref<10112x128xf32, #tpu.memory_space<vmem_shared>> -> memref<16x128xf32, #tpu.memory_space<vmem_shared>>
      %dma_start3A_85 = arith.constant 0 : i32
      %dma_start3A_86 = tpu.memref_slice %arg17[%add3A_26, %dma_start3A_85] : memref<10112x128xf32, #tpu.memory_space<vmem_shared>> -> memref<16x128xf32, #tpu.memory_space<vmem_shared>>
      %dma_start3A_87 = arith.constant 0 : i32
      %dma_start3A_88 = arith.constant 0 : i32
      %dma_start3A_89 = tpu.memref_slice %arg9[%dma_start3A_87, %dma_start3A_88] : memref<56x128xf32, #tpu.memory_space<vmem>> -> memref<16x128xf32, #tpu.memory_space<vmem>>
      tpu.enqueue_dma source(%dma_start3A_89 : memref<16x128xf32, #tpu.memory_space<vmem>>) target(%dma_start3A_86 : memref<16x128xf32, #tpu.memory_space<vmem_shared>>) target_semaphore(%run_scoped3A : memref<!tpu.dma_semaphore, #tpu.memory_space<semaphore_mem>>)
      %dma_wait3A = arith.constant 0 : i32
      %dma_wait3A_90 = arith.constant 0 : i32
      %dma_wait3A_91 = tpu.memref_slice %arg9[%dma_wait3A, %dma_wait3A_90] : memref<56x128xf32, #tpu.memory_space<vmem>> -> memref<16x128xf32, #tpu.memory_space<vmem>>
      %dma_wait3A_92 = arith.constant 0 : i32
      %dma_wait3A_93 = tpu.memref_slice %arg17[%add3A_26, %dma_wait3A_92] : memref<10112x128xf32, #tpu.memory_space<vmem_shared>> -> memref<16x128xf32, #tpu.memory_space<vmem_shared>>
      %dma_wait3A_94 = arith.constant 0 : i32
      %dma_wait3A_95 = tpu.memref_slice %arg17[%add3A_26, %dma_wait3A_94] : memref<10112x128xf32, #tpu.memory_space<vmem_shared>> -> memref<16x128xf32, #tpu.memory_space<vmem_shared>>
      %dma_wait3A_96 = arith.constant 0 : i32
      %dma_wait3A_97 = arith.constant 0 : i32
      %dma_wait3A_98 = tpu.memref_slice %arg9[%dma_wait3A_96, %dma_wait3A_97] : memref<56x128xf32, #tpu.memory_space<vmem>> -> memref<16x128xf32, #tpu.memory_space<vmem>>
      tpu.wait_dma2 semaphore(%run_scoped3A : memref<!tpu.dma_semaphore, #tpu.memory_space<semaphore_mem>>) src(%dma_wait3A_98 : memref<16x128xf32, #tpu.memory_space<vmem>>) dst(%dma_wait3A_95 : memref<16x128xf32, #tpu.memory_space<vmem_shared>>)
      tpu.yield
    }) : () -> ()
    %barrier3A = arith.constant 0 : index
    tpu.barrier barrier_id(%barrier3A)
    %scan3A = arith.constant 0 : i32
    %scan3A_27 = arith.constant 0 : i32
    %scan3A_28 = arith.constant 23 : i32
    %scan3A_29 = arith.addi %scan3A_27, %scan3A_28 : i32
    %scan3A_30 = arith.constant 1 : i32
    scf.for %scan3A_81 = %scan3A_27 to %scan3A_29 step %scan3A_30  : i32 {
      %mul3A_82 = arith.constant 8 : i32
      %mul3A_83 = arith.muli %scan3A_81, %mul3A_82 : i32
      "tpu.region"() ({
        %run_scoped3A_203 = tpu.sem_alloc : memref<!tpu.dma_semaphore, #tpu.memory_space<semaphore_mem>>
        %dma_start3A_204 = arith.constant 0 : i32
        %dma_start3A_205 = tpu.memref_slice %arg2[%add3A, %mul3A_83, %dma_start3A_204] : memref<32x184x56xi32, #tpu.memory_space<hbm>> -> memref<1x8x56xi32, #tpu.memory_space<hbm>>
        %dma_start3A_206 = tpu.memref_squeeze %dma_start3A_205 : memref<1x8x56xi32, #tpu.memory_space<hbm>> -> memref<8x56xi32, #tpu.memory_space<hbm>>
        %dma_start3A_207 = arith.constant 0 : i32
        %dma_start3A_208 = tpu.memref_slice %arg2[%add3A, %mul3A_83, %dma_start3A_207] : memref<32x184x56xi32, #tpu.memory_space<hbm>> -> memref<1x8x56xi32, #tpu.memory_space<hbm>>
        %dma_start3A_209 = tpu.memref_squeeze %dma_start3A_208 : memref<1x8x56xi32, #tpu.memory_space<hbm>> -> memref<8x56xi32, #tpu.memory_space<hbm>>
        tpu.enqueue_dma source(%dma_start3A_209 : memref<8x56xi32, #tpu.memory_space<hbm>>) target(%arg7 : memref<8x56xi32, #tpu.memory_space<vmem>>) target_semaphore(%run_scoped3A_203 : memref<!tpu.dma_semaphore, #tpu.memory_space<semaphore_mem>>)
        %dma_wait3A_210 = arith.constant 0 : i32
        %dma_wait3A_211 = tpu.memref_slice %arg2[%add3A, %mul3A_83, %dma_wait3A_210] : memref<32x184x56xi32, #tpu.memory_space<hbm>> -> memref<1x8x56xi32, #tpu.memory_space<hbm>>
        %dma_wait3A_212 = tpu.memref_squeeze %dma_wait3A_211 : memref<1x8x56xi32, #tpu.memory_space<hbm>> -> memref<8x56xi32, #tpu.memory_space<hbm>>
        %dma_wait3A_213 = arith.constant 0 : i32
        %dma_wait3A_214 = tpu.memref_slice %arg2[%add3A, %mul3A_83, %dma_wait3A_213] : memref<32x184x56xi32, #tpu.memory_space<hbm>> -> memref<1x8x56xi32, #tpu.memory_space<hbm>>
        %dma_wait3A_215 = tpu.memref_squeeze %dma_wait3A_214 : memref<1x8x56xi32, #tpu.memory_space<hbm>> -> memref<8x56xi32, #tpu.memory_space<hbm>>
        tpu.wait_dma2 semaphore(%run_scoped3A_203 : memref<!tpu.dma_semaphore, #tpu.memory_space<semaphore_mem>>) src(%dma_wait3A_215 : memref<8x56xi32, #tpu.memory_space<hbm>>) dst(%arg7 : memref<8x56xi32, #tpu.memory_space<vmem>>)
        tpu.yield
      }) : () -> ()
      %mul3A_84 = arith.constant 8 : i32
      %mul3A_85 = arith.muli %scan3A_81, %mul3A_84 : i32
      "tpu.region"() ({
        %run_scoped3A_203 = tpu.sem_alloc : memref<!tpu.dma_semaphore, #tpu.memory_space<semaphore_mem>>
        %dma_start3A_204 = arith.constant 0 : i32
        %dma_start3A_205 = tpu.memref_slice %arg3[%add3A, %mul3A_85, %dma_start3A_204] : memref<32x184x56xi32, #tpu.memory_space<hbm>> -> memref<1x8x56xi32, #tpu.memory_space<hbm>>
        %dma_start3A_206 = tpu.memref_squeeze %dma_start3A_205 : memref<1x8x56xi32, #tpu.memory_space<hbm>> -> memref<8x56xi32, #tpu.memory_space<hbm>>
        %dma_start3A_207 = arith.constant 0 : i32
        %dma_start3A_208 = tpu.memref_slice %arg3[%add3A, %mul3A_85, %dma_start3A_207] : memref<32x184x56xi32, #tpu.memory_space<hbm>> -> memref<1x8x56xi32, #tpu.memory_space<hbm>>
        %dma_start3A_209 = tpu.memref_squeeze %dma_start3A_208 : memref<1x8x56xi32, #tpu.memory_space<hbm>> -> memref<8x56xi32, #tpu.memory_space<hbm>>
        tpu.enqueue_dma source(%dma_start3A_209 : memref<8x56xi32, #tpu.memory_space<hbm>>) target(%arg8 : memref<8x56xi32, #tpu.memory_space<vmem>>) target_semaphore(%run_scoped3A_203 : memref<!tpu.dma_semaphore, #tpu.memory_space<semaphore_mem>>)
        %dma_wait3A_210 = arith.constant 0 : i32
        %dma_wait3A_211 = tpu.memref_slice %arg3[%add3A, %mul3A_85, %dma_wait3A_210] : memref<32x184x56xi32, #tpu.memory_space<hbm>> -> memref<1x8x56xi32, #tpu.memory_space<hbm>>
        %dma_wait3A_212 = tpu.memref_squeeze %dma_wait3A_211 : memref<1x8x56xi32, #tpu.memory_space<hbm>> -> memref<8x56xi32, #tpu.memory_space<hbm>>
        %dma_wait3A_213 = arith.constant 0 : i32
        %dma_wait3A_214 = tpu.memref_slice %arg3[%add3A, %mul3A_85, %dma_wait3A_213] : memref<32x184x56xi32, #tpu.memory_space<hbm>> -> memref<1x8x56xi32, #tpu.memory_space<hbm>>
        %dma_wait3A_215 = tpu.memref_squeeze %dma_wait3A_214 : memref<1x8x56xi32, #tpu.memory_space<hbm>> -> memref<8x56xi32, #tpu.memory_space<hbm>>
        tpu.wait_dma2 semaphore(%run_scoped3A_203 : memref<!tpu.dma_semaphore, #tpu.memory_space<semaphore_mem>>) src(%dma_wait3A_215 : memref<8x56xi32, #tpu.memory_space<hbm>>) dst(%arg8 : memref<8x56xi32, #tpu.memory_space<vmem>>)
        tpu.yield
      }) : () -> ()
      %dma_start3A = arith.constant 0 : i32
      %dma_start3A_86 = arith.constant 0 : i32
      %dma_start3A_87 = tpu.memref_slice %arg7[%dma_start3A, %dma_start3A_86] : memref<8x56xi32, #tpu.memory_space<vmem>> -> memref<1x56xi32, #tpu.memory_space<vmem>>
      %dma_start3A_88 = tpu.memref_squeeze %dma_start3A_87 : memref<1x56xi32, #tpu.memory_space<vmem>> -> memref<56xi32, #tpu.memory_space<vmem>>
      %dma_start3A_89 = arith.constant 0 : i32
      %dma_start3A_90 = arith.constant 0 : i32
      %dma_start3A_91 = tpu.memref_slice %arg4[%dma_start3A_89, %dma_start3A_90] : memref<10000x128xf32, #tpu.memory_space<hbm>> -> memref<10000x128xf32, #tpu.memory_space<hbm>>
      tpu.enqueue_indirect_dma source(%dma_start3A_91 : memref<10000x128xf32, #tpu.memory_space<hbm>>) target(%arg9 : memref<56x128xf32, #tpu.memory_space<vmem>>) offsets(%dma_start3A_88 : memref<56xi32, #tpu.memory_space<vmem>>) semaphore(%arg13 : memref<!tpu.dma_semaphore, #tpu.memory_space<semaphore_mem>>)
      %dma_start3A_92 = arith.constant 1 : i32
      %dma_start3A_93 = arith.constant 0 : i32
      %dma_start3A_94 = tpu.memref_slice %arg7[%dma_start3A_92, %dma_start3A_93] : memref<8x56xi32, #tpu.memory_space<vmem>> -> memref<1x56xi32, #tpu.memory_space<vmem>>
      %dma_start3A_95 = tpu.memref_squeeze %dma_start3A_94 : memref<1x56xi32, #tpu.memory_space<vmem>> -> memref<56xi32, #tpu.memory_space<vmem>>
      %dma_start3A_96 = arith.constant 0 : i32
      %dma_start3A_97 = arith.constant 0 : i32
      %dma_start3A_98 = tpu.memref_slice %arg4[%dma_start3A_96, %dma_start3A_97] : memref<10000x128xf32, #tpu.memory_space<hbm>> -> memref<10000x128xf32, #tpu.memory_space<hbm>>
      tpu.enqueue_indirect_dma source(%dma_start3A_98 : memref<10000x128xf32, #tpu.memory_space<hbm>>) target(%arg10 : memref<56x128xf32, #tpu.memory_space<vmem>>) offsets(%dma_start3A_95 : memref<56xi32, #tpu.memory_space<vmem>>) semaphore(%arg14 : memref<!tpu.dma_semaphore, #tpu.memory_space<semaphore_mem>>)
      %dma_start3A_99 = arith.constant 2 : i32
      %dma_start3A_100 = arith.constant 0 : i32
      %dma_start3A_101 = tpu.memref_slice %arg7[%dma_start3A_99, %dma_start3A_100] : memref<8x56xi32, #tpu.memory_space<vmem>> -> memref<1x56xi32, #tpu.memory_space<vmem>>
      %dma_start3A_102 = tpu.memref_squeeze %dma_start3A_101 : memref<1x56xi32, #tpu.memory_space<vmem>> -> memref<56xi32, #tpu.memory_space<vmem>>
      %dma_start3A_103 = arith.constant 0 : i32
      %dma_start3A_104 = arith.constant 0 : i32
      %dma_start3A_105 = tpu.memref_slice %arg4[%dma_start3A_103, %dma_start3A_104] : memref<10000x128xf32, #tpu.memory_space<hbm>> -> memref<10000x128xf32, #tpu.memory_space<hbm>>
      tpu.enqueue_indirect_dma source(%dma_start3A_105 : memref<10000x128xf32, #tpu.memory_space<hbm>>) target(%arg11 : memref<56x128xf32, #tpu.memory_space<vmem>>) offsets(%dma_start3A_102 : memref<56xi32, #tpu.memory_space<vmem>>) semaphore(%arg15 : memref<!tpu.dma_semaphore, #tpu.memory_space<semaphore_mem>>)
      %dma_start3A_106 = arith.constant 3 : i32
      %dma_start3A_107 = arith.constant 0 : i32
      %dma_start3A_108 = tpu.memref_slice %arg7[%dma_start3A_106, %dma_start3A_107] : memref<8x56xi32, #tpu.memory_space<vmem>> -> memref<1x56xi32, #tpu.memory_space<vmem>>
      %dma_start3A_109 = tpu.memref_squeeze %dma_start3A_108 : memref<1x56xi32, #tpu.memory_space<vmem>> -> memref<56xi32, #tpu.memory_space<vmem>>
      %dma_start3A_110 = arith.constant 0 : i32
      %dma_start3A_111 = arith.constant 0 : i32
      %dma_start3A_112 = tpu.memref_slice %arg4[%dma_start3A_110, %dma_start3A_111] : memref<10000x128xf32, #tpu.memory_space<hbm>> -> memref<10000x128xf32, #tpu.memory_space<hbm>>
      tpu.enqueue_indirect_dma source(%dma_start3A_112 : memref<10000x128xf32, #tpu.memory_space<hbm>>) target(%arg12 : memref<56x128xf32, #tpu.memory_space<vmem>>) offsets(%dma_start3A_109 : memref<56xi32, #tpu.memory_space<vmem>>) semaphore(%arg16 : memref<!tpu.dma_semaphore, #tpu.memory_space<semaphore_mem>>)
      %dma_wait3A = arith.constant 0 : i32
      %dma_wait3A_113 = arith.constant 0 : i32
      %dma_wait3A_114 = tpu.memref_slice %arg7[%dma_wait3A, %dma_wait3A_113] : memref<8x56xi32, #tpu.memory_space<vmem>> -> memref<1x56xi32, #tpu.memory_space<vmem>>
      %dma_wait3A_115 = tpu.memref_squeeze %dma_wait3A_114 : memref<1x56xi32, #tpu.memory_space<vmem>> -> memref<56xi32, #tpu.memory_space<vmem>>
      %dma_wait3A_116 = arith.constant 0 : i32
      %dma_wait3A_117 = arith.constant 0 : i32
      %dma_wait3A_118 = tpu.memref_slice %arg4[%dma_wait3A_116, %dma_wait3A_117] : memref<10000x128xf32, #tpu.memory_space<hbm>> -> memref<10000x128xf32, #tpu.memory_space<hbm>>
      tpu.wait_indirect_dma semaphore(%arg13 : memref<!tpu.dma_semaphore, #tpu.memory_space<semaphore_mem>>) src(%dma_wait3A_118 : memref<10000x128xf32, #tpu.memory_space<hbm>>) dst(%arg9 : memref<56x128xf32, #tpu.memory_space<vmem>>)
      %run_scoped3A = arith.constant 0 : i32
      "tpu.region"() ({
        %run_scoped3A_203 = tpu.sem_alloc : memref<!tpu.dma_semaphore, #tpu.memory_space<semaphore_mem>>
        %dma_start3A_204 = arith.constant 0 : i32
        %dma_start3A_205 = tpu.memref_slice %arg8[%run_scoped3A, %dma_start3A_204] : memref<8x56xi32, #tpu.memory_space<vmem>> -> memref<1x56xi32, #tpu.memory_space<vmem>>
        %dma_start3A_206 = tpu.memref_squeeze %dma_start3A_205 : memref<1x56xi32, #tpu.memory_space<vmem>> -> memref<56xi32, #tpu.memory_space<vmem>>
        %dma_start3A_207 = arith.constant 0 : i32
        %dma_start3A_208 = arith.constant 0 : i32
        %dma_start3A_209 = tpu.memref_slice %arg17[%dma_start3A_207, %dma_start3A_208] : memref<10112x128xf32, #tpu.memory_space<vmem_shared>> -> memref<10112x128xf32, #tpu.memory_space<vmem_shared>>
        tpu.enqueue_indirect_dma source(%arg9 : memref<56x128xf32, #tpu.memory_space<vmem>>) target(%dma_start3A_209 : memref<10112x128xf32, #tpu.memory_space<vmem_shared>>) offsets(%dma_start3A_206 : memref<56xi32, #tpu.memory_space<vmem>>) semaphore(%run_scoped3A_203 : memref<!tpu.dma_semaphore, #tpu.memory_space<semaphore_mem>>) {add = true}
        %dma_wait3A_210 = arith.constant 0 : i32
        %dma_wait3A_211 = tpu.memref_slice %arg8[%run_scoped3A, %dma_wait3A_210] : memref<8x56xi32, #tpu.memory_space<vmem>> -> memref<1x56xi32, #tpu.memory_space<vmem>>
        %dma_wait3A_212 = tpu.memref_squeeze %dma_wait3A_211 : memref<1x56xi32, #tpu.memory_space<vmem>> -> memref<56xi32, #tpu.memory_space<vmem>>
        %dma_wait3A_213 = arith.constant 0 : i32
        %dma_wait3A_214 = arith.constant 0 : i32
        %dma_wait3A_215 = tpu.memref_slice %arg17[%dma_wait3A_213, %dma_wait3A_214] : memref<10112x128xf32, #tpu.memory_space<vmem_shared>> -> memref<10112x128xf32, #tpu.memory_space<vmem_shared>>
        tpu.wait_indirect_dma semaphore(%run_scoped3A_203 : memref<!tpu.dma_semaphore, #tpu.memory_space<semaphore_mem>>) src(%arg9 : memref<56x128xf32, #tpu.memory_space<vmem>>) dst(%dma_wait3A_215 : memref<10112x128xf32, #tpu.memory_space<vmem_shared>>)
        tpu.yield
      }) : () -> ()
      %dma_start3A_119 = arith.constant 4 : i32
      %dma_start3A_120 = arith.constant 0 : i32
      %dma_start3A_121 = tpu.memref_slice %arg7[%dma_start3A_119, %dma_start3A_120] : memref<8x56xi32, #tpu.memory_space<vmem>> -> memref<1x56xi32, #tpu.memory_space<vmem>>
      %dma_start3A_122 = tpu.memref_squeeze %dma_start3A_121 : memref<1x56xi32, #tpu.memory_space<vmem>> -> memref<56xi32, #tpu.memory_space<vmem>>
      %dma_start3A_123 = arith.constant 0 : i32
      %dma_start3A_124 = arith.constant 0 : i32
      %dma_start3A_125 = tpu.memref_slice %arg4[%dma_start3A_123, %dma_start3A_124] : memref<10000x128xf32, #tpu.memory_space<hbm>> -> memref<10000x128xf32, #tpu.memory_space<hbm>>
      tpu.enqueue_indirect_dma source(%dma_start3A_125 : memref<10000x128xf32, #tpu.memory_space<hbm>>) target(%arg9 : memref<56x128xf32, #tpu.memory_space<vmem>>) offsets(%dma_start3A_122 : memref<56xi32, #tpu.memory_space<vmem>>) semaphore(%arg13 : memref<!tpu.dma_semaphore, #tpu.memory_space<semaphore_mem>>)
      %dma_wait3A_126 = arith.constant 1 : i32
      %dma_wait3A_127 = arith.constant 0 : i32
      %dma_wait3A_128 = tpu.memref_slice %arg7[%dma_wait3A_126, %dma_wait3A_127] : memref<8x56xi32, #tpu.memory_space<vmem>> -> memref<1x56xi32, #tpu.memory_space<vmem>>
      %dma_wait3A_129 = tpu.memref_squeeze %dma_wait3A_128 : memref<1x56xi32, #tpu.memory_space<vmem>> -> memref<56xi32, #tpu.memory_space<vmem>>
      %dma_wait3A_130 = arith.constant 0 : i32
      %dma_wait3A_131 = arith.constant 0 : i32
      %dma_wait3A_132 = tpu.memref_slice %arg4[%dma_wait3A_130, %dma_wait3A_131] : memref<10000x128xf32, #tpu.memory_space<hbm>> -> memref<10000x128xf32, #tpu.memory_space<hbm>>
      tpu.wait_indirect_dma semaphore(%arg14 : memref<!tpu.dma_semaphore, #tpu.memory_space<semaphore_mem>>) src(%dma_wait3A_132 : memref<10000x128xf32, #tpu.memory_space<hbm>>) dst(%arg10 : memref<56x128xf32, #tpu.memory_space<vmem>>)
      %run_scoped3A_133 = arith.constant 1 : i32
      "tpu.region"() ({
        %run_scoped3A_203 = tpu.sem_alloc : memref<!tpu.dma_semaphore, #tpu.memory_space<semaphore_mem>>
        %dma_start3A_204 = arith.constant 0 : i32
        %dma_start3A_205 = tpu.memref_slice %arg8[%run_scoped3A_133, %dma_start3A_204] : memref<8x56xi32, #tpu.memory_space<vmem>> -> memref<1x56xi32, #tpu.memory_space<vmem>>
        %dma_start3A_206 = tpu.memref_squeeze %dma_start3A_205 : memref<1x56xi32, #tpu.memory_space<vmem>> -> memref<56xi32, #tpu.memory_space<vmem>>
        %dma_start3A_207 = arith.constant 0 : i32
        %dma_start3A_208 = arith.constant 0 : i32
        %dma_start3A_209 = tpu.memref_slice %arg17[%dma_start3A_207, %dma_start3A_208] : memref<10112x128xf32, #tpu.memory_space<vmem_shared>> -> memref<10112x128xf32, #tpu.memory_space<vmem_shared>>
        tpu.enqueue_indirect_dma source(%arg10 : memref<56x128xf32, #tpu.memory_space<vmem>>) target(%dma_start3A_209 : memref<10112x128xf32, #tpu.memory_space<vmem_shared>>) offsets(%dma_start3A_206 : memref<56xi32, #tpu.memory_space<vmem>>) semaphore(%run_scoped3A_203 : memref<!tpu.dma_semaphore, #tpu.memory_space<semaphore_mem>>) {add = true}
        %dma_wait3A_210 = arith.constant 0 : i32
        %dma_wait3A_211 = tpu.memref_slice %arg8[%run_scoped3A_133, %dma_wait3A_210] : memref<8x56xi32, #tpu.memory_space<vmem>> -> memref<1x56xi32, #tpu.memory_space<vmem>>
        %dma_wait3A_212 = tpu.memref_squeeze %dma_wait3A_211 : memref<1x56xi32, #tpu.memory_space<vmem>> -> memref<56xi32, #tpu.memory_space<vmem>>
        %dma_wait3A_213 = arith.constant 0 : i32
        %dma_wait3A_214 = arith.constant 0 : i32
        %dma_wait3A_215 = tpu.memref_slice %arg17[%dma_wait3A_213, %dma_wait3A_214] : memref<10112x128xf32, #tpu.memory_space<vmem_shared>> -> memref<10112x128xf32, #tpu.memory_space<vmem_shared>>
        tpu.wait_indirect_dma semaphore(%run_scoped3A_203 : memref<!tpu.dma_semaphore, #tpu.memory_space<semaphore_mem>>) src(%arg10 : memref<56x128xf32, #tpu.memory_space<vmem>>) dst(%dma_wait3A_215 : memref<10112x128xf32, #tpu.memory_space<vmem_shared>>)
        tpu.yield
      }) : () -> ()
      %dma_start3A_134 = arith.constant 5 : i32
      %dma_start3A_135 = arith.constant 0 : i32
      %dma_start3A_136 = tpu.memref_slice %arg7[%dma_start3A_134, %dma_start3A_135] : memref<8x56xi32, #tpu.memory_space<vmem>> -> memref<1x56xi32, #tpu.memory_space<vmem>>
      %dma_start3A_137 = tpu.memref_squeeze %dma_start3A_136 : memref<1x56xi32, #tpu.memory_space<vmem>> -> memref<56xi32, #tpu.memory_space<vmem>>
      %dma_start3A_138 = arith.constant 0 : i32
      %dma_start3A_139 = arith.constant 0 : i32
      %dma_start3A_140 = tpu.memref_slice %arg4[%dma_start3A_138, %dma_start3A_139] : memref<10000x128xf32, #tpu.memory_space<hbm>> -> memref<10000x128xf32, #tpu.memory_space<hbm>>
      tpu.enqueue_indirect_dma source(%dma_start3A_140 : memref<10000x128xf32, #tpu.memory_space<hbm>>) target(%arg10 : memref<56x128xf32, #tpu.memory_space<vmem>>) offsets(%dma_start3A_137 : memref<56xi32, #tpu.memory_space<vmem>>) semaphore(%arg14 : memref<!tpu.dma_semaphore, #tpu.memory_space<semaphore_mem>>)
      %dma_wait3A_141 = arith.constant 2 : i32
      %dma_wait3A_142 = arith.constant 0 : i32
      %dma_wait3A_143 = tpu.memref_slice %arg7[%dma_wait3A_141, %dma_wait3A_142] : memref<8x56xi32, #tpu.memory_space<vmem>> -> memref<1x56xi32, #tpu.memory_space<vmem>>
      %dma_wait3A_144 = tpu.memref_squeeze %dma_wait3A_143 : memref<1x56xi32, #tpu.memory_space<vmem>> -> memref<56xi32, #tpu.memory_space<vmem>>
      %dma_wait3A_145 = arith.constant 0 : i32
      %dma_wait3A_146 = arith.constant 0 : i32
      %dma_wait3A_147 = tpu.memref_slice %arg4[%dma_wait3A_145, %dma_wait3A_146] : memref<10000x128xf32, #tpu.memory_space<hbm>> -> memref<10000x128xf32, #tpu.memory_space<hbm>>
      tpu.wait_indirect_dma semaphore(%arg15 : memref<!tpu.dma_semaphore, #tpu.memory_space<semaphore_mem>>) src(%dma_wait3A_147 : memref<10000x128xf32, #tpu.memory_space<hbm>>) dst(%arg11 : memref<56x128xf32, #tpu.memory_space<vmem>>)
      %run_scoped3A_148 = arith.constant 2 : i32
      "tpu.region"() ({
        %run_scoped3A_203 = tpu.sem_alloc : memref<!tpu.dma_semaphore, #tpu.memory_space<semaphore_mem>>
        %dma_start3A_204 = arith.constant 0 : i32
        %dma_start3A_205 = tpu.memref_slice %arg8[%run_scoped3A_148, %dma_start3A_204] : memref<8x56xi32, #tpu.memory_space<vmem>> -> memref<1x56xi32, #tpu.memory_space<vmem>>
        %dma_start3A_206 = tpu.memref_squeeze %dma_start3A_205 : memref<1x56xi32, #tpu.memory_space<vmem>> -> memref<56xi32, #tpu.memory_space<vmem>>
        %dma_start3A_207 = arith.constant 0 : i32
        %dma_start3A_208 = arith.constant 0 : i32
        %dma_start3A_209 = tpu.memref_slice %arg17[%dma_start3A_207, %dma_start3A_208] : memref<10112x128xf32, #tpu.memory_space<vmem_shared>> -> memref<10112x128xf32, #tpu.memory_space<vmem_shared>>
        tpu.enqueue_indirect_dma source(%arg11 : memref<56x128xf32, #tpu.memory_space<vmem>>) target(%dma_start3A_209 : memref<10112x128xf32, #tpu.memory_space<vmem_shared>>) offsets(%dma_start3A_206 : memref<56xi32, #tpu.memory_space<vmem>>) semaphore(%run_scoped3A_203 : memref<!tpu.dma_semaphore, #tpu.memory_space<semaphore_mem>>) {add = true}
        %dma_wait3A_210 = arith.constant 0 : i32
        %dma_wait3A_211 = tpu.memref_slice %arg8[%run_scoped3A_148, %dma_wait3A_210] : memref<8x56xi32, #tpu.memory_space<vmem>> -> memref<1x56xi32, #tpu.memory_space<vmem>>
        %dma_wait3A_212 = tpu.memref_squeeze %dma_wait3A_211 : memref<1x56xi32, #tpu.memory_space<vmem>> -> memref<56xi32, #tpu.memory_space<vmem>>
        %dma_wait3A_213 = arith.constant 0 : i32
        %dma_wait3A_214 = arith.constant 0 : i32
        %dma_wait3A_215 = tpu.memref_slice %arg17[%dma_wait3A_213, %dma_wait3A_214] : memref<10112x128xf32, #tpu.memory_space<vmem_shared>> -> memref<10112x128xf32, #tpu.memory_space<vmem_shared>>
        tpu.wait_indirect_dma semaphore(%run_scoped3A_203 : memref<!tpu.dma_semaphore, #tpu.memory_space<semaphore_mem>>) src(%arg11 : memref<56x128xf32, #tpu.memory_space<vmem>>) dst(%dma_wait3A_215 : memref<10112x128xf32, #tpu.memory_space<vmem_shared>>)
        tpu.yield
      }) : () -> ()
      %dma_start3A_149 = arith.constant 6 : i32
      %dma_start3A_150 = arith.constant 0 : i32
      %dma_start3A_151 = tpu.memref_slice %arg7[%dma_start3A_149, %dma_start3A_150] : memref<8x56xi32, #tpu.memory_space<vmem>> -> memref<1x56xi32, #tpu.memory_space<vmem>>
      %dma_start3A_152 = tpu.memref_squeeze %dma_start3A_151 : memref<1x56xi32, #tpu.memory_space<vmem>> -> memref<56xi32, #tpu.memory_space<vmem>>
      %dma_start3A_153 = arith.constant 0 : i32
      %dma_start3A_154 = arith.constant 0 : i32
      %dma_start3A_155 = tpu.memref_slice %arg4[%dma_start3A_153, %dma_start3A_154] : memref<10000x128xf32, #tpu.memory_space<hbm>> -> memref<10000x128xf32, #tpu.memory_space<hbm>>
      tpu.enqueue_indirect_dma source(%dma_start3A_155 : memref<10000x128xf32, #tpu.memory_space<hbm>>) target(%arg11 : memref<56x128xf32, #tpu.memory_space<vmem>>) offsets(%dma_start3A_152 : memref<56xi32, #tpu.memory_space<vmem>>) semaphore(%arg15 : memref<!tpu.dma_semaphore, #tpu.memory_space<semaphore_mem>>)
      %dma_wait3A_156 = arith.constant 3 : i32
      %dma_wait3A_157 = arith.constant 0 : i32
      %dma_wait3A_158 = tpu.memref_slice %arg7[%dma_wait3A_156, %dma_wait3A_157] : memref<8x56xi32, #tpu.memory_space<vmem>> -> memref<1x56xi32, #tpu.memory_space<vmem>>
      %dma_wait3A_159 = tpu.memref_squeeze %dma_wait3A_158 : memref<1x56xi32, #tpu.memory_space<vmem>> -> memref<56xi32, #tpu.memory_space<vmem>>
      %dma_wait3A_160 = arith.constant 0 : i32
      %dma_wait3A_161 = arith.constant 0 : i32
      %dma_wait3A_162 = tpu.memref_slice %arg4[%dma_wait3A_160, %dma_wait3A_161] : memref<10000x128xf32, #tpu.memory_space<hbm>> -> memref<10000x128xf32, #tpu.memory_space<hbm>>
      tpu.wait_indirect_dma semaphore(%arg16 : memref<!tpu.dma_semaphore, #tpu.memory_space<semaphore_mem>>) src(%dma_wait3A_162 : memref<10000x128xf32, #tpu.memory_space<hbm>>) dst(%arg12 : memref<56x128xf32, #tpu.memory_space<vmem>>)
      %run_scoped3A_163 = arith.constant 3 : i32
      "tpu.region"() ({
        %run_scoped3A_203 = tpu.sem_alloc : memref<!tpu.dma_semaphore, #tpu.memory_space<semaphore_mem>>
        %dma_start3A_204 = arith.constant 0 : i32
        %dma_start3A_205 = tpu.memref_slice %arg8[%run_scoped3A_163, %dma_start3A_204] : memref<8x56xi32, #tpu.memory_space<vmem>> -> memref<1x56xi32, #tpu.memory_space<vmem>>
        %dma_start3A_206 = tpu.memref_squeeze %dma_start3A_205 : memref<1x56xi32, #tpu.memory_space<vmem>> -> memref<56xi32, #tpu.memory_space<vmem>>
        %dma_start3A_207 = arith.constant 0 : i32
        %dma_start3A_208 = arith.constant 0 : i32
        %dma_start3A_209 = tpu.memref_slice %arg17[%dma_start3A_207, %dma_start3A_208] : memref<10112x128xf32, #tpu.memory_space<vmem_shared>> -> memref<10112x128xf32, #tpu.memory_space<vmem_shared>>
        tpu.enqueue_indirect_dma source(%arg12 : memref<56x128xf32, #tpu.memory_space<vmem>>) target(%dma_start3A_209 : memref<10112x128xf32, #tpu.memory_space<vmem_shared>>) offsets(%dma_start3A_206 : memref<56xi32, #tpu.memory_space<vmem>>) semaphore(%run_scoped3A_203 : memref<!tpu.dma_semaphore, #tpu.memory_space<semaphore_mem>>) {add = true}
        %dma_wait3A_210 = arith.constant 0 : i32
        %dma_wait3A_211 = tpu.memref_slice %arg8[%run_scoped3A_163, %dma_wait3A_210] : memref<8x56xi32, #tpu.memory_space<vmem>> -> memref<1x56xi32, #tpu.memory_space<vmem>>
        %dma_wait3A_212 = tpu.memref_squeeze %dma_wait3A_211 : memref<1x56xi32, #tpu.memory_space<vmem>> -> memref<56xi32, #tpu.memory_space<vmem>>
        %dma_wait3A_213 = arith.constant 0 : i32
        %dma_wait3A_214 = arith.constant 0 : i32
        %dma_wait3A_215 = tpu.memref_slice %arg17[%dma_wait3A_213, %dma_wait3A_214] : memref<10112x128xf32, #tpu.memory_space<vmem_shared>> -> memref<10112x128xf32, #tpu.memory_space<vmem_shared>>
        tpu.wait_indirect_dma semaphore(%run_scoped3A_203 : memref<!tpu.dma_semaphore, #tpu.memory_space<semaphore_mem>>) src(%arg12 : memref<56x128xf32, #tpu.memory_space<vmem>>) dst(%dma_wait3A_215 : memref<10112x128xf32, #tpu.memory_space<vmem_shared>>)
        tpu.yield
      }) : () -> ()
      %dma_start3A_164 = arith.constant 7 : i32
      %dma_start3A_165 = arith.constant 0 : i32
      %dma_start3A_166 = tpu.memref_slice %arg7[%dma_start3A_164, %dma_start3A_165] : memref<8x56xi32, #tpu.memory_space<vmem>> -> memref<1x56xi32, #tpu.memory_space<vmem>>
      %dma_start3A_167 = tpu.memref_squeeze %dma_start3A_166 : memref<1x56xi32, #tpu.memory_space<vmem>> -> memref<56xi32, #tpu.memory_space<vmem>>
      %dma_start3A_168 = arith.constant 0 : i32
      %dma_start3A_169 = arith.constant 0 : i32
      %dma_start3A_170 = tpu.memref_slice %arg4[%dma_start3A_168, %dma_start3A_169] : memref<10000x128xf32, #tpu.memory_space<hbm>> -> memref<10000x128xf32, #tpu.memory_space<hbm>>
      tpu.enqueue_indirect_dma source(%dma_start3A_170 : memref<10000x128xf32, #tpu.memory_space<hbm>>) target(%arg12 : memref<56x128xf32, #tpu.memory_space<vmem>>) offsets(%dma_start3A_167 : memref<56xi32, #tpu.memory_space<vmem>>) semaphore(%arg16 : memref<!tpu.dma_semaphore, #tpu.memory_space<semaphore_mem>>)
      %dma_wait3A_171 = arith.constant 4 : i32
      %dma_wait3A_172 = arith.constant 0 : i32
      %dma_wait3A_173 = tpu.memref_slice %arg7[%dma_wait3A_171, %dma_wait3A_172] : memref<8x56xi32, #tpu.memory_space<vmem>> -> memref<1x56xi32, #tpu.memory_space<vmem>>
      %dma_wait3A_174 = tpu.memref_squeeze %dma_wait3A_173 : memref<1x56xi32, #tpu.memory_space<vmem>> -> memref<56xi32, #tpu.memory_space<vmem>>
      %dma_wait3A_175 = arith.constant 0 : i32
      %dma_wait3A_176 = arith.constant 0 : i32
      %dma_wait3A_177 = tpu.memref_slice %arg4[%dma_wait3A_175, %dma_wait3A_176] : memref<10000x128xf32, #tpu.memory_space<hbm>> -> memref<10000x128xf32, #tpu.memory_space<hbm>>
      tpu.wait_indirect_dma semaphore(%arg13 : memref<!tpu.dma_semaphore, #tpu.memory_space<semaphore_mem>>) src(%dma_wait3A_177 : memref<10000x128xf32, #tpu.memory_space<hbm>>) dst(%arg9 : memref<56x128xf32, #tpu.memory_space<vmem>>)
      %run_scoped3A_178 = arith.constant 4 : i32
      "tpu.region"() ({
        %run_scoped3A_203 = tpu.sem_alloc : memref<!tpu.dma_semaphore, #tpu.memory_space<semaphore_mem>>
        %dma_start3A_204 = arith.constant 0 : i32
        %dma_start3A_205 = tpu.memref_slice %arg8[%run_scoped3A_178, %dma_start3A_204] : memref<8x56xi32, #tpu.memory_space<vmem>> -> memref<1x56xi32, #tpu.memory_space<vmem>>
        %dma_start3A_206 = tpu.memref_squeeze %dma_start3A_205 : memref<1x56xi32, #tpu.memory_space<vmem>> -> memref<56xi32, #tpu.memory_space<vmem>>
        %dma_start3A_207 = arith.constant 0 : i32
        %dma_start3A_208 = arith.constant 0 : i32
        %dma_start3A_209 = tpu.memref_slice %arg17[%dma_start3A_207, %dma_start3A_208] : memref<10112x128xf32, #tpu.memory_space<vmem_shared>> -> memref<10112x128xf32, #tpu.memory_space<vmem_shared>>
        tpu.enqueue_indirect_dma source(%arg9 : memref<56x128xf32, #tpu.memory_space<vmem>>) target(%dma_start3A_209 : memref<10112x128xf32, #tpu.memory_space<vmem_shared>>) offsets(%dma_start3A_206 : memref<56xi32, #tpu.memory_space<vmem>>) semaphore(%run_scoped3A_203 : memref<!tpu.dma_semaphore, #tpu.memory_space<semaphore_mem>>) {add = true}
        %dma_wait3A_210 = arith.constant 0 : i32
        %dma_wait3A_211 = tpu.memref_slice %arg8[%run_scoped3A_178, %dma_wait3A_210] : memref<8x56xi32, #tpu.memory_space<vmem>> -> memref<1x56xi32, #tpu.memory_space<vmem>>
        %dma_wait3A_212 = tpu.memref_squeeze %dma_wait3A_211 : memref<1x56xi32, #tpu.memory_space<vmem>> -> memref<56xi32, #tpu.memory_space<vmem>>
        %dma_wait3A_213 = arith.constant 0 : i32
        %dma_wait3A_214 = arith.constant 0 : i32
        %dma_wait3A_215 = tpu.memref_slice %arg17[%dma_wait3A_213, %dma_wait3A_214] : memref<10112x128xf32, #tpu.memory_space<vmem_shared>> -> memref<10112x128xf32, #tpu.memory_space<vmem_shared>>
        tpu.wait_indirect_dma semaphore(%run_scoped3A_203 : memref<!tpu.dma_semaphore, #tpu.memory_space<semaphore_mem>>) src(%arg9 : memref<56x128xf32, #tpu.memory_space<vmem>>) dst(%dma_wait3A_215 : memref<10112x128xf32, #tpu.memory_space<vmem_shared>>)
        tpu.yield
      }) : () -> ()
      %dma_wait3A_179 = arith.constant 5 : i32
      %dma_wait3A_180 = arith.constant 0 : i32
      %dma_wait3A_181 = tpu.memref_slice %arg7[%dma_wait3A_179, %dma_wait3A_180] : memref<8x56xi32, #tpu.memory_space<vmem>> -> memref<1x56xi32, #tpu.memory_space<vmem>>
      %dma_wait3A_182 = tpu.memref_squeeze %dma_wait3A_181 : memref<1x56xi32, #tpu.memory_space<vmem>> -> memref<56xi32, #tpu.memory_space<vmem>>
      %dma_wait3A_183 = arith.constant 0 : i32
      %dma_wait3A_184 = arith.constant 0 : i32
      %dma_wait3A_185 = tpu.memref_slice %arg4[%dma_wait3A_183, %dma_wait3A_184] : memref<10000x128xf32, #tpu.memory_space<hbm>> -> memref<10000x128xf32, #tpu.memory_space<hbm>>
      tpu.wait_indirect_dma semaphore(%arg14 : memref<!tpu.dma_semaphore, #tpu.memory_space<semaphore_mem>>) src(%dma_wait3A_185 : memref<10000x128xf32, #tpu.memory_space<hbm>>) dst(%arg10 : memref<56x128xf32, #tpu.memory_space<vmem>>)
      %run_scoped3A_186 = arith.constant 5 : i32
      "tpu.region"() ({
        %run_scoped3A_203 = tpu.sem_alloc : memref<!tpu.dma_semaphore, #tpu.memory_space<semaphore_mem>>
        %dma_start3A_204 = arith.constant 0 : i32
        %dma_start3A_205 = tpu.memref_slice %arg8[%run_scoped3A_186, %dma_start3A_204] : memref<8x56xi32, #tpu.memory_space<vmem>> -> memref<1x56xi32, #tpu.memory_space<vmem>>
        %dma_start3A_206 = tpu.memref_squeeze %dma_start3A_205 : memref<1x56xi32, #tpu.memory_space<vmem>> -> memref<56xi32, #tpu.memory_space<vmem>>
        %dma_start3A_207 = arith.constant 0 : i32
        %dma_start3A_208 = arith.constant 0 : i32
        %dma_start3A_209 = tpu.memref_slice %arg17[%dma_start3A_207, %dma_start3A_208] : memref<10112x128xf32, #tpu.memory_space<vmem_shared>> -> memref<10112x128xf32, #tpu.memory_space<vmem_shared>>
        tpu.enqueue_indirect_dma source(%arg10 : memref<56x128xf32, #tpu.memory_space<vmem>>) target(%dma_start3A_209 : memref<10112x128xf32, #tpu.memory_space<vmem_shared>>) offsets(%dma_start3A_206 : memref<56xi32, #tpu.memory_space<vmem>>) semaphore(%run_scoped3A_203 : memref<!tpu.dma_semaphore, #tpu.memory_space<semaphore_mem>>) {add = true}
        %dma_wait3A_210 = arith.constant 0 : i32
        %dma_wait3A_211 = tpu.memref_slice %arg8[%run_scoped3A_186, %dma_wait3A_210] : memref<8x56xi32, #tpu.memory_space<vmem>> -> memref<1x56xi32, #tpu.memory_space<vmem>>
        %dma_wait3A_212 = tpu.memref_squeeze %dma_wait3A_211 : memref<1x56xi32, #tpu.memory_space<vmem>> -> memref<56xi32, #tpu.memory_space<vmem>>
        %dma_wait3A_213 = arith.constant 0 : i32
        %dma_wait3A_214 = arith.constant 0 : i32
        %dma_wait3A_215 = tpu.memref_slice %arg17[%dma_wait3A_213, %dma_wait3A_214] : memref<10112x128xf32, #tpu.memory_space<vmem_shared>> -> memref<10112x128xf32, #tpu.memory_space<vmem_shared>>
        tpu.wait_indirect_dma semaphore(%run_scoped3A_203 : memref<!tpu.dma_semaphore, #tpu.memory_space<semaphore_mem>>) src(%arg10 : memref<56x128xf32, #tpu.memory_space<vmem>>) dst(%dma_wait3A_215 : memref<10112x128xf32, #tpu.memory_space<vmem_shared>>)
        tpu.yield
      }) : () -> ()
      %dma_wait3A_187 = arith.constant 6 : i32
      %dma_wait3A_188 = arith.constant 0 : i32
      %dma_wait3A_189 = tpu.memref_slice %arg7[%dma_wait3A_187, %dma_wait3A_188] : memref<8x56xi32, #tpu.memory_space<vmem>> -> memref<1x56xi32, #tpu.memory_space<vmem>>
      %dma_wait3A_190 = tpu.memref_squeeze %dma_wait3A_189 : memref<1x56xi32, #tpu.memory_space<vmem>> -> memref<56xi32, #tpu.memory_space<vmem>>
      %dma_wait3A_191 = arith.constant 0 : i32
      %dma_wait3A_192 = arith.constant 0 : i32
      %dma_wait3A_193 = tpu.memref_slice %arg4[%dma_wait3A_191, %dma_wait3A_192] : memref<10000x128xf32, #tpu.memory_space<hbm>> -> memref<10000x128xf32, #tpu.memory_space<hbm>>
      tpu.wait_indirect_dma semaphore(%arg15 : memref<!tpu.dma_semaphore, #tpu.memory_space<semaphore_mem>>) src(%dma_wait3A_193 : memref<10000x128xf32, #tpu.memory_space<hbm>>) dst(%arg11 : memref<56x128xf32, #tpu.memory_space<vmem>>)
      %run_scoped3A_194 = arith.constant 6 : i32
      "tpu.region"() ({
        %run_scoped3A_203 = tpu.sem_alloc : memref<!tpu.dma_semaphore, #tpu.memory_space<semaphore_mem>>
        %dma_start3A_204 = arith.constant 0 : i32
        %dma_start3A_205 = tpu.memref_slice %arg8[%run_scoped3A_194, %dma_start3A_204] : memref<8x56xi32, #tpu.memory_space<vmem>> -> memref<1x56xi32, #tpu.memory_space<vmem>>
        %dma_start3A_206 = tpu.memref_squeeze %dma_start3A_205 : memref<1x56xi32, #tpu.memory_space<vmem>> -> memref<56xi32, #tpu.memory_space<vmem>>
        %dma_start3A_207 = arith.constant 0 : i32
        %dma_start3A_208 = arith.constant 0 : i32
        %dma_start3A_209 = tpu.memref_slice %arg17[%dma_start3A_207, %dma_start3A_208] : memref<10112x128xf32, #tpu.memory_space<vmem_shared>> -> memref<10112x128xf32, #tpu.memory_space<vmem_shared>>
        tpu.enqueue_indirect_dma source(%arg11 : memref<56x128xf32, #tpu.memory_space<vmem>>) target(%dma_start3A_209 : memref<10112x128xf32, #tpu.memory_space<vmem_shared>>) offsets(%dma_start3A_206 : memref<56xi32, #tpu.memory_space<vmem>>) semaphore(%run_scoped3A_203 : memref<!tpu.dma_semaphore, #tpu.memory_space<semaphore_mem>>) {add = true}
        %dma_wait3A_210 = arith.constant 0 : i32
        %dma_wait3A_211 = tpu.memref_slice %arg8[%run_scoped3A_194, %dma_wait3A_210] : memref<8x56xi32, #tpu.memory_space<vmem>> -> memref<1x56xi32, #tpu.memory_space<vmem>>
        %dma_wait3A_212 = tpu.memref_squeeze %dma_wait3A_211 : memref<1x56xi32, #tpu.memory_space<vmem>> -> memref<56xi32, #tpu.memory_space<vmem>>
        %dma_wait3A_213 = arith.constant 0 : i32
        %dma_wait3A_214 = arith.constant 0 : i32
        %dma_wait3A_215 = tpu.memref_slice %arg17[%dma_wait3A_213, %dma_wait3A_214] : memref<10112x128xf32, #tpu.memory_space<vmem_shared>> -> memref<10112x128xf32, #tpu.memory_space<vmem_shared>>
        tpu.wait_indirect_dma semaphore(%run_scoped3A_203 : memref<!tpu.dma_semaphore, #tpu.memory_space<semaphore_mem>>) src(%arg11 : memref<56x128xf32, #tpu.memory_space<vmem>>) dst(%dma_wait3A_215 : memref<10112x128xf32, #tpu.memory_space<vmem_shared>>)
        tpu.yield
      }) : () -> ()
      %dma_wait3A_195 = arith.constant 7 : i32
      %dma_wait3A_196 = arith.constant 0 : i32
      %dma_wait3A_197 = tpu.memref_slice %arg7[%dma_wait3A_195, %dma_wait3A_196] : memref<8x56xi32, #tpu.memory_space<vmem>> -> memref<1x56xi32, #tpu.memory_space<vmem>>
      %dma_wait3A_198 = tpu.memref_squeeze %dma_wait3A_197 : memref<1x56xi32, #tpu.memory_space<vmem>> -> memref<56xi32, #tpu.memory_space<vmem>>
      %dma_wait3A_199 = arith.constant 0 : i32
      %dma_wait3A_200 = arith.constant 0 : i32
      %dma_wait3A_201 = tpu.memref_slice %arg4[%dma_wait3A_199, %dma_wait3A_200] : memref<10000x128xf32, #tpu.memory_space<hbm>> -> memref<10000x128xf32, #tpu.memory_space<hbm>>
      tpu.wait_indirect_dma semaphore(%arg16 : memref<!tpu.dma_semaphore, #tpu.memory_space<semaphore_mem>>) src(%dma_wait3A_201 : memref<10000x128xf32, #tpu.memory_space<hbm>>) dst(%arg12 : memref<56x128xf32, #tpu.memory_space<vmem>>)
      %run_scoped3A_202 = arith.constant 7 : i32
      "tpu.region"() ({
        %run_scoped3A_203 = tpu.sem_alloc : memref<!tpu.dma_semaphore, #tpu.memory_space<semaphore_mem>>
        %dma_start3A_204 = arith.constant 0 : i32
        %dma_start3A_205 = tpu.memref_slice %arg8[%run_scoped3A_202, %dma_start3A_204] : memref<8x56xi32, #tpu.memory_space<vmem>> -> memref<1x56xi32, #tpu.memory_space<vmem>>
        %dma_start3A_206 = tpu.memref_squeeze %dma_start3A_205 : memref<1x56xi32, #tpu.memory_space<vmem>> -> memref<56xi32, #tpu.memory_space<vmem>>
        %dma_start3A_207 = arith.constant 0 : i32
        %dma_start3A_208 = arith.constant 0 : i32
        %dma_start3A_209 = tpu.memref_slice %arg17[%dma_start3A_207, %dma_start3A_208] : memref<10112x128xf32, #tpu.memory_space<vmem_shared>> -> memref<10112x128xf32, #tpu.memory_space<vmem_shared>>
        tpu.enqueue_indirect_dma source(%arg12 : memref<56x128xf32, #tpu.memory_space<vmem>>) target(%dma_start3A_209 : memref<10112x128xf32, #tpu.memory_space<vmem_shared>>) offsets(%dma_start3A_206 : memref<56xi32, #tpu.memory_space<vmem>>) semaphore(%run_scoped3A_203 : memref<!tpu.dma_semaphore, #tpu.memory_space<semaphore_mem>>) {add = true}
        %dma_wait3A_210 = arith.constant 0 : i32
        %dma_wait3A_211 = tpu.memref_slice %arg8[%run_scoped3A_202, %dma_wait3A_210] : memref<8x56xi32, #tpu.memory_space<vmem>> -> memref<1x56xi32, #tpu.memory_space<vmem>>
        %dma_wait3A_212 = tpu.memref_squeeze %dma_wait3A_211 : memref<1x56xi32, #tpu.memory_space<vmem>> -> memref<56xi32, #tpu.memory_space<vmem>>
        %dma_wait3A_213 = arith.constant 0 : i32
        %dma_wait3A_214 = arith.constant 0 : i32
        %dma_wait3A_215 = tpu.memref_slice %arg17[%dma_wait3A_213, %dma_wait3A_214] : memref<10112x128xf32, #tpu.memory_space<vmem_shared>> -> memref<10112x128xf32, #tpu.memory_space<vmem_shared>>
        tpu.wait_indirect_dma semaphore(%run_scoped3A_203 : memref<!tpu.dma_semaphore, #tpu.memory_space<semaphore_mem>>) src(%arg12 : memref<56x128xf32, #tpu.memory_space<vmem>>) dst(%dma_wait3A_215 : memref<10112x128xf32, #tpu.memory_space<vmem_shared>>)
        tpu.yield
      }) : () -> ()
    }
    %scan3A_31 = arith.constant 23 : i32
    %barrier3A_32 = arith.constant 0 : index
    tpu.barrier barrier_id(%barrier3A_32)
    %add3A_33 = arith.constant 0 : i32
    %add3A_34 = arith.addi %mul3A_2, %add3A_33 : i32
    "tpu.region"() ({
      %run_scoped3A = tpu.sem_alloc : memref<!tpu.dma_semaphore, #tpu.memory_space<semaphore_mem>>
      %dma_start3A = arith.constant 0 : i32
      %dma_start3A_81 = arith.constant 0 : i32
      %dma_start3A_82 = tpu.memref_slice %arg9[%dma_start3A, %dma_start3A_81] : memref<56x128xf32, #tpu.memory_space<vmem>> -> memref<56x128xf32, #tpu.memory_space<vmem>>
      %dma_start3A_83 = arith.constant 0 : i32
      %dma_start3A_84 = tpu.memref_slice %arg17[%add3A_34, %dma_start3A_83] : memref<10112x128xf32, #tpu.memory_space<vmem_shared>> -> memref<56x128xf32, #tpu.memory_space<vmem_shared>>
      %dma_start3A_85 = arith.constant 0 : i32
      %dma_start3A_86 = arith.constant 0 : i32
      %dma_start3A_87 = tpu.memref_slice %arg9[%dma_start3A_85, %dma_start3A_86] : memref<56x128xf32, #tpu.memory_space<vmem>> -> memref<56x128xf32, #tpu.memory_space<vmem>>
      %dma_start3A_88 = arith.constant 0 : i32
      %dma_start3A_89 = tpu.memref_slice %arg17[%add3A_34, %dma_start3A_88] : memref<10112x128xf32, #tpu.memory_space<vmem_shared>> -> memref<56x128xf32, #tpu.memory_space<vmem_shared>>
      tpu.enqueue_dma source(%dma_start3A_89 : memref<56x128xf32, #tpu.memory_space<vmem_shared>>) target(%dma_start3A_87 : memref<56x128xf32, #tpu.memory_space<vmem>>) target_semaphore(%run_scoped3A : memref<!tpu.dma_semaphore, #tpu.memory_space<semaphore_mem>>)
      %dma_wait3A = arith.constant 0 : i32
      %dma_wait3A_90 = arith.constant 0 : i32
      %dma_wait3A_91 = tpu.memref_slice %arg9[%dma_wait3A, %dma_wait3A_90] : memref<56x128xf32, #tpu.memory_space<vmem>> -> memref<56x128xf32, #tpu.memory_space<vmem>>
      %dma_wait3A_92 = arith.constant 0 : i32
      %dma_wait3A_93 = tpu.memref_slice %arg17[%add3A_34, %dma_wait3A_92] : memref<10112x128xf32, #tpu.memory_space<vmem_shared>> -> memref<56x128xf32, #tpu.memory_space<vmem_shared>>
      %dma_wait3A_94 = arith.constant 0 : i32
      %dma_wait3A_95 = arith.constant 0 : i32
      %dma_wait3A_96 = tpu.memref_slice %arg9[%dma_wait3A_94, %dma_wait3A_95] : memref<56x128xf32, #tpu.memory_space<vmem>> -> memref<56x128xf32, #tpu.memory_space<vmem>>
      %dma_wait3A_97 = arith.constant 0 : i32
      %dma_wait3A_98 = tpu.memref_slice %arg17[%add3A_34, %dma_wait3A_97] : memref<10112x128xf32, #tpu.memory_space<vmem_shared>> -> memref<56x128xf32, #tpu.memory_space<vmem_shared>>
      tpu.wait_dma2 semaphore(%run_scoped3A : memref<!tpu.dma_semaphore, #tpu.memory_space<semaphore_mem>>) src(%dma_wait3A_98 : memref<56x128xf32, #tpu.memory_space<vmem_shared>>) dst(%dma_wait3A_96 : memref<56x128xf32, #tpu.memory_space<vmem>>)
      tpu.yield
    }) : () -> ()
    %add3A_35 = arith.constant 0 : i32
    %add3A_36 = arith.addi %mul3A_2, %add3A_35 : i32
    "tpu.region"() ({
      %run_scoped3A = tpu.sem_alloc : memref<!tpu.dma_semaphore, #tpu.memory_space<semaphore_mem>>
      %dma_start3A = arith.constant 0 : i32
      %dma_start3A_81 = arith.constant 0 : i32
      %dma_start3A_82 = tpu.memref_slice %arg9[%dma_start3A, %dma_start3A_81] : memref<56x128xf32, #tpu.memory_space<vmem>> -> memref<56x128xf32, #tpu.memory_space<vmem>>
      %dma_start3A_83 = arith.constant 0 : i32
      %dma_start3A_84 = tpu.memref_slice %arg6[%arg0, %add3A_36, %dma_start3A_83] : memref<2x10112x128xf32, #tpu.memory_space<hbm>> -> memref<1x56x128xf32, #tpu.memory_space<hbm>>
      %dma_start3A_85 = tpu.memref_squeeze %dma_start3A_84 : memref<1x56x128xf32, #tpu.memory_space<hbm>> -> memref<56x128xf32, #tpu.memory_space<hbm>>
      %dma_start3A_86 = arith.constant 0 : i32
      %dma_start3A_87 = tpu.memref_slice %arg6[%arg0, %add3A_36, %dma_start3A_86] : memref<2x10112x128xf32, #tpu.memory_space<hbm>> -> memref<1x56x128xf32, #tpu.memory_space<hbm>>
      %dma_start3A_88 = tpu.memref_squeeze %dma_start3A_87 : memref<1x56x128xf32, #tpu.memory_space<hbm>> -> memref<56x128xf32, #tpu.memory_space<hbm>>
      %dma_start3A_89 = arith.constant 0 : i32
      %dma_start3A_90 = arith.constant 0 : i32
      %dma_start3A_91 = tpu.memref_slice %arg9[%dma_start3A_89, %dma_start3A_90] : memref<56x128xf32, #tpu.memory_space<vmem>> -> memref<56x128xf32, #tpu.memory_space<vmem>>
      tpu.enqueue_dma source(%dma_start3A_91 : memref<56x128xf32, #tpu.memory_space<vmem>>) target(%dma_start3A_88 : memref<56x128xf32, #tpu.memory_space<hbm>>) target_semaphore(%run_scoped3A : memref<!tpu.dma_semaphore, #tpu.memory_space<semaphore_mem>>)
      %dma_wait3A = arith.constant 0 : i32
      %dma_wait3A_92 = arith.constant 0 : i32
      %dma_wait3A_93 = tpu.memref_slice %arg9[%dma_wait3A, %dma_wait3A_92] : memref<56x128xf32, #tpu.memory_space<vmem>> -> memref<56x128xf32, #tpu.memory_space<vmem>>
      %dma_wait3A_94 = arith.constant 0 : i32
      %dma_wait3A_95 = tpu.memref_slice %arg6[%arg0, %add3A_36, %dma_wait3A_94] : memref<2x10112x128xf32, #tpu.memory_space<hbm>> -> memref<1x56x128xf32, #tpu.memory_space<hbm>>
      %dma_wait3A_96 = tpu.memref_squeeze %dma_wait3A_95 : memref<1x56x128xf32, #tpu.memory_space<hbm>> -> memref<56x128xf32, #tpu.memory_space<hbm>>
      %dma_wait3A_97 = arith.constant 0 : i32
      %dma_wait3A_98 = tpu.memref_slice %arg6[%arg0, %add3A_36, %dma_wait3A_97] : memref<2x10112x128xf32, #tpu.memory_space<hbm>> -> memref<1x56x128xf32, #tpu.memory_space<hbm>>
      %dma_wait3A_99 = tpu.memref_squeeze %dma_wait3A_98 : memref<1x56x128xf32, #tpu.memory_space<hbm>> -> memref<56x128xf32, #tpu.memory_space<hbm>>
      %dma_wait3A_100 = arith.constant 0 : i32
      %dma_wait3A_101 = arith.constant 0 : i32
      %dma_wait3A_102 = tpu.memref_slice %arg9[%dma_wait3A_100, %dma_wait3A_101] : memref<56x128xf32, #tpu.memory_space<vmem>> -> memref<56x128xf32, #tpu.memory_space<vmem>>
      tpu.wait_dma2 semaphore(%run_scoped3A : memref<!tpu.dma_semaphore, #tpu.memory_space<semaphore_mem>>) src(%dma_wait3A_102 : memref<56x128xf32, #tpu.memory_space<vmem>>) dst(%dma_wait3A_99 : memref<56x128xf32, #tpu.memory_space<hbm>>)
      tpu.yield
    }) : () -> ()
    %add3A_37 = arith.constant 56 : i32
    %add3A_38 = arith.addi %mul3A_2, %add3A_37 : i32
    "tpu.region"() ({
      %run_scoped3A = tpu.sem_alloc : memref<!tpu.dma_semaphore, #tpu.memory_space<semaphore_mem>>
      %dma_start3A = arith.constant 0 : i32
      %dma_start3A_81 = arith.constant 0 : i32
      %dma_start3A_82 = tpu.memref_slice %arg9[%dma_start3A, %dma_start3A_81] : memref<56x128xf32, #tpu.memory_space<vmem>> -> memref<56x128xf32, #tpu.memory_space<vmem>>
      %dma_start3A_83 = arith.constant 0 : i32
      %dma_start3A_84 = tpu.memref_slice %arg17[%add3A_38, %dma_start3A_83] : memref<10112x128xf32, #tpu.memory_space<vmem_shared>> -> memref<56x128xf32, #tpu.memory_space<vmem_shared>>
      %dma_start3A_85 = arith.constant 0 : i32
      %dma_start3A_86 = arith.constant 0 : i32
      %dma_start3A_87 = tpu.memref_slice %arg9[%dma_start3A_85, %dma_start3A_86] : memref<56x128xf32, #tpu.memory_space<vmem>> -> memref<56x128xf32, #tpu.memory_space<vmem>>
      %dma_start3A_88 = arith.constant 0 : i32
      %dma_start3A_89 = tpu.memref_slice %arg17[%add3A_38, %dma_start3A_88] : memref<10112x128xf32, #tpu.memory_space<vmem_shared>> -> memref<56x128xf32, #tpu.memory_space<vmem_shared>>
      tpu.enqueue_dma source(%dma_start3A_89 : memref<56x128xf32, #tpu.memory_space<vmem_shared>>) target(%dma_start3A_87 : memref<56x128xf32, #tpu.memory_space<vmem>>) target_semaphore(%run_scoped3A : memref<!tpu.dma_semaphore, #tpu.memory_space<semaphore_mem>>)
      %dma_wait3A = arith.constant 0 : i32
      %dma_wait3A_90 = arith.constant 0 : i32
      %dma_wait3A_91 = tpu.memref_slice %arg9[%dma_wait3A, %dma_wait3A_90] : memref<56x128xf32, #tpu.memory_space<vmem>> -> memref<56x128xf32, #tpu.memory_space<vmem>>
      %dma_wait3A_92 = arith.constant 0 : i32
      %dma_wait3A_93 = tpu.memref_slice %arg17[%add3A_38, %dma_wait3A_92] : memref<10112x128xf32, #tpu.memory_space<vmem_shared>> -> memref<56x128xf32, #tpu.memory_space<vmem_shared>>
      %dma_wait3A_94 = arith.constant 0 : i32
      %dma_wait3A_95 = arith.constant 0 : i32
      %dma_wait3A_96 = tpu.memref_slice %arg9[%dma_wait3A_94, %dma_wait3A_95] : memref<56x128xf32, #tpu.memory_space<vmem>> -> memref<56x128xf32, #tpu.memory_space<vmem>>
      %dma_wait3A_97 = arith.constant 0 : i32
      %dma_wait3A_98 = tpu.memref_slice %arg17[%add3A_38, %dma_wait3A_97] : memref<10112x128xf32, #tpu.memory_space<vmem_shared>> -> memref<56x128xf32, #tpu.memory_space<vmem_shared>>
      tpu.wait_dma2 semaphore(%run_scoped3A : memref<!tpu.dma_semaphore, #tpu.memory_space<semaphore_mem>>) src(%dma_wait3A_98 : memref<56x128xf32, #tpu.memory_space<vmem_shared>>) dst(%dma_wait3A_96 : memref<56x128xf32, #tpu.memory_space<vmem>>)
      tpu.yield
    }) : () -> ()
    %add3A_39 = arith.constant 56 : i32
    %add3A_40 = arith.addi %mul3A_2, %add3A_39 : i32
    "tpu.region"() ({
      %run_scoped3A = tpu.sem_alloc : memref<!tpu.dma_semaphore, #tpu.memory_space<semaphore_mem>>
      %dma_start3A = arith.constant 0 : i32
      %dma_start3A_81 = arith.constant 0 : i32
      %dma_start3A_82 = tpu.memref_slice %arg9[%dma_start3A, %dma_start3A_81] : memref<56x128xf32, #tpu.memory_space<vmem>> -> memref<56x128xf32, #tpu.memory_space<vmem>>
      %dma_start3A_83 = arith.constant 0 : i32
      %dma_start3A_84 = tpu.memref_slice %arg6[%arg0, %add3A_40, %dma_start3A_83] : memref<2x10112x128xf32, #tpu.memory_space<hbm>> -> memref<1x56x128xf32, #tpu.memory_space<hbm>>
      %dma_start3A_85 = tpu.memref_squeeze %dma_start3A_84 : memref<1x56x128xf32, #tpu.memory_space<hbm>> -> memref<56x128xf32, #tpu.memory_space<hbm>>
      %dma_start3A_86 = arith.constant 0 : i32
      %dma_start3A_87 = tpu.memref_slice %arg6[%arg0, %add3A_40, %dma_start3A_86] : memref<2x10112x128xf32, #tpu.memory_space<hbm>> -> memref<1x56x128xf32, #tpu.memory_space<hbm>>
      %dma_start3A_88 = tpu.memref_squeeze %dma_start3A_87 : memref<1x56x128xf32, #tpu.memory_space<hbm>> -> memref<56x128xf32, #tpu.memory_space<hbm>>
      %dma_start3A_89 = arith.constant 0 : i32
      %dma_start3A_90 = arith.constant 0 : i32
      %dma_start3A_91 = tpu.memref_slice %arg9[%dma_start3A_89, %dma_start3A_90] : memref<56x128xf32, #tpu.memory_space<vmem>> -> memref<56x128xf32, #tpu.memory_space<vmem>>
      tpu.enqueue_dma source(%dma_start3A_91 : memref<56x128xf32, #tpu.memory_space<vmem>>) target(%dma_start3A_88 : memref<56x128xf32, #tpu.memory_space<hbm>>) target_semaphore(%run_scoped3A : memref<!tpu.dma_semaphore, #tpu.memory_space<semaphore_mem>>)
      %dma_wait3A = arith.constant 0 : i32
      %dma_wait3A_92 = arith.constant 0 : i32
      %dma_wait3A_93 = tpu.memref_slice %arg9[%dma_wait3A, %dma_wait3A_92] : memref<56x128xf32, #tpu.memory_space<vmem>> -> memref<56x128xf32, #tpu.memory_space<vmem>>
      %dma_wait3A_94 = arith.constant 0 : i32
      %dma_wait3A_95 = tpu.memref_slice %arg6[%arg0, %add3A_40, %dma_wait3A_94] : memref<2x10112x128xf32, #tpu.memory_space<hbm>> -> memref<1x56x128xf32, #tpu.memory_space<hbm>>
      %dma_wait3A_96 = tpu.memref_squeeze %dma_wait3A_95 : memref<1x56x128xf32, #tpu.memory_space<hbm>> -> memref<56x128xf32, #tpu.memory_space<hbm>>
      %dma_wait3A_97 = arith.constant 0 : i32
      %dma_wait3A_98 = tpu.memref_slice %arg6[%arg0, %add3A_40, %dma_wait3A_97] : memref<2x10112x128xf32, #tpu.memory_space<hbm>> -> memref<1x56x128xf32, #tpu.memory_space<hbm>>
      %dma_wait3A_99 = tpu.memref_squeeze %dma_wait3A_98 : memref<1x56x128xf32, #tpu.memory_space<hbm>> -> memref<56x128xf32, #tpu.memory_space<hbm>>
      %dma_wait3A_100 = arith.constant 0 : i32
      %dma_wait3A_101 = arith.constant 0 : i32
      %dma_wait3A_102 = tpu.memref_slice %arg9[%dma_wait3A_100, %dma_wait3A_101] : memref<56x128xf32, #tpu.memory_space<vmem>> -> memref<56x128xf32, #tpu.memory_space<vmem>>
      tpu.wait_dma2 semaphore(%run_scoped3A : memref<!tpu.dma_semaphore, #tpu.memory_space<semaphore_mem>>) src(%dma_wait3A_102 : memref<56x128xf32, #tpu.memory_space<vmem>>) dst(%dma_wait3A_99 : memref<56x128xf32, #tpu.memory_space<hbm>>)
      tpu.yield
    }) : () -> ()
    %add3A_41 = arith.constant 112 : i32
    %add3A_42 = arith.addi %mul3A_2, %add3A_41 : i32
    "tpu.region"() ({
      %run_scoped3A = tpu.sem_alloc : memref<!tpu.dma_semaphore, #tpu.memory_space<semaphore_mem>>
      %dma_start3A = arith.constant 0 : i32
      %dma_start3A_81 = arith.constant 0 : i32
      %dma_start3A_82 = tpu.memref_slice %arg9[%dma_start3A, %dma_start3A_81] : memref<56x128xf32, #tpu.memory_space<vmem>> -> memref<56x128xf32, #tpu.memory_space<vmem>>
      %dma_start3A_83 = arith.constant 0 : i32
      %dma_start3A_84 = tpu.memref_slice %arg17[%add3A_42, %dma_start3A_83] : memref<10112x128xf32, #tpu.memory_space<vmem_shared>> -> memref<56x128xf32, #tpu.memory_space<vmem_shared>>
      %dma_start3A_85 = arith.constant 0 : i32
      %dma_start3A_86 = arith.constant 0 : i32
      %dma_start3A_87 = tpu.memref_slice %arg9[%dma_start3A_85, %dma_start3A_86] : memref<56x128xf32, #tpu.memory_space<vmem>> -> memref<56x128xf32, #tpu.memory_space<vmem>>
      %dma_start3A_88 = arith.constant 0 : i32
      %dma_start3A_89 = tpu.memref_slice %arg17[%add3A_42, %dma_start3A_88] : memref<10112x128xf32, #tpu.memory_space<vmem_shared>> -> memref<56x128xf32, #tpu.memory_space<vmem_shared>>
      tpu.enqueue_dma source(%dma_start3A_89 : memref<56x128xf32, #tpu.memory_space<vmem_shared>>) target(%dma_start3A_87 : memref<56x128xf32, #tpu.memory_space<vmem>>) target_semaphore(%run_scoped3A : memref<!tpu.dma_semaphore, #tpu.memory_space<semaphore_mem>>)
      %dma_wait3A = arith.constant 0 : i32
      %dma_wait3A_90 = arith.constant 0 : i32
      %dma_wait3A_91 = tpu.memref_slice %arg9[%dma_wait3A, %dma_wait3A_90] : memref<56x128xf32, #tpu.memory_space<vmem>> -> memref<56x128xf32, #tpu.memory_space<vmem>>
      %dma_wait3A_92 = arith.constant 0 : i32
      %dma_wait3A_93 = tpu.memref_slice %arg17[%add3A_42, %dma_wait3A_92] : memref<10112x128xf32, #tpu.memory_space<vmem_shared>> -> memref<56x128xf32, #tpu.memory_space<vmem_shared>>
      %dma_wait3A_94 = arith.constant 0 : i32
      %dma_wait3A_95 = arith.constant 0 : i32
      %dma_wait3A_96 = tpu.memref_slice %arg9[%dma_wait3A_94, %dma_wait3A_95] : memref<56x128xf32, #tpu.memory_space<vmem>> -> memref<56x128xf32, #tpu.memory_space<vmem>>
      %dma_wait3A_97 = arith.constant 0 : i32
      %dma_wait3A_98 = tpu.memref_slice %arg17[%add3A_42, %dma_wait3A_97] : memref<10112x128xf32, #tpu.memory_space<vmem_shared>> -> memref<56x128xf32, #tpu.memory_space<vmem_shared>>
      tpu.wait_dma2 semaphore(%run_scoped3A : memref<!tpu.dma_semaphore, #tpu.memory_space<semaphore_mem>>) src(%dma_wait3A_98 : memref<56x128xf32, #tpu.memory_space<vmem_shared>>) dst(%dma_wait3A_96 : memref<56x128xf32, #tpu.memory_space<vmem>>)
      tpu.yield
    }) : () -> ()
    %add3A_43 = arith.constant 112 : i32
    %add3A_44 = arith.addi %mul3A_2, %add3A_43 : i32
    "tpu.region"() ({
      %run_scoped3A = tpu.sem_alloc : memref<!tpu.dma_semaphore, #tpu.memory_space<semaphore_mem>>
      %dma_start3A = arith.constant 0 : i32
      %dma_start3A_81 = arith.constant 0 : i32
      %dma_start3A_82 = tpu.memref_slice %arg9[%dma_start3A, %dma_start3A_81] : memref<56x128xf32, #tpu.memory_space<vmem>> -> memref<56x128xf32, #tpu.memory_space<vmem>>
      %dma_start3A_83 = arith.constant 0 : i32
      %dma_start3A_84 = tpu.memref_slice %arg6[%arg0, %add3A_44, %dma_start3A_83] : memref<2x10112x128xf32, #tpu.memory_space<hbm>> -> memref<1x56x128xf32, #tpu.memory_space<hbm>>
      %dma_start3A_85 = tpu.memref_squeeze %dma_start3A_84 : memref<1x56x128xf32, #tpu.memory_space<hbm>> -> memref<56x128xf32, #tpu.memory_space<hbm>>
      %dma_start3A_86 = arith.constant 0 : i32
      %dma_start3A_87 = tpu.memref_slice %arg6[%arg0, %add3A_44, %dma_start3A_86] : memref<2x10112x128xf32, #tpu.memory_space<hbm>> -> memref<1x56x128xf32, #tpu.memory_space<hbm>>
      %dma_start3A_88 = tpu.memref_squeeze %dma_start3A_87 : memref<1x56x128xf32, #tpu.memory_space<hbm>> -> memref<56x128xf32, #tpu.memory_space<hbm>>
      %dma_start3A_89 = arith.constant 0 : i32
      %dma_start3A_90 = arith.constant 0 : i32
      %dma_start3A_91 = tpu.memref_slice %arg9[%dma_start3A_89, %dma_start3A_90] : memref<56x128xf32, #tpu.memory_space<vmem>> -> memref<56x128xf32, #tpu.memory_space<vmem>>
      tpu.enqueue_dma source(%dma_start3A_91 : memref<56x128xf32, #tpu.memory_space<vmem>>) target(%dma_start3A_88 : memref<56x128xf32, #tpu.memory_space<hbm>>) target_semaphore(%run_scoped3A : memref<!tpu.dma_semaphore, #tpu.memory_space<semaphore_mem>>)
      %dma_wait3A = arith.constant 0 : i32
      %dma_wait3A_92 = arith.constant 0 : i32
      %dma_wait3A_93 = tpu.memref_slice %arg9[%dma_wait3A, %dma_wait3A_92] : memref<56x128xf32, #tpu.memory_space<vmem>> -> memref<56x128xf32, #tpu.memory_space<vmem>>
      %dma_wait3A_94 = arith.constant 0 : i32
      %dma_wait3A_95 = tpu.memref_slice %arg6[%arg0, %add3A_44, %dma_wait3A_94] : memref<2x10112x128xf32, #tpu.memory_space<hbm>> -> memref<1x56x128xf32, #tpu.memory_space<hbm>>
      %dma_wait3A_96 = tpu.memref_squeeze %dma_wait3A_95 : memref<1x56x128xf32, #tpu.memory_space<hbm>> -> memref<56x128xf32, #tpu.memory_space<hbm>>
      %dma_wait3A_97 = arith.constant 0 : i32
      %dma_wait3A_98 = tpu.memref_slice %arg6[%arg0, %add3A_44, %dma_wait3A_97] : memref<2x10112x128xf32, #tpu.memory_space<hbm>> -> memref<1x56x128xf32, #tpu.memory_space<hbm>>
      %dma_wait3A_99 = tpu.memref_squeeze %dma_wait3A_98 : memref<1x56x128xf32, #tpu.memory_space<hbm>> -> memref<56x128xf32, #tpu.memory_space<hbm>>
      %dma_wait3A_100 = arith.constant 0 : i32
      %dma_wait3A_101 = arith.constant 0 : i32
      %dma_wait3A_102 = tpu.memref_slice %arg9[%dma_wait3A_100, %dma_wait3A_101] : memref<56x128xf32, #tpu.memory_space<vmem>> -> memref<56x128xf32, #tpu.memory_space<vmem>>
      tpu.wait_dma2 semaphore(%run_scoped3A : memref<!tpu.dma_semaphore, #tpu.memory_space<semaphore_mem>>) src(%dma_wait3A_102 : memref<56x128xf32, #tpu.memory_space<vmem>>) dst(%dma_wait3A_99 : memref<56x128xf32, #tpu.memory_space<hbm>>)
      tpu.yield
    }) : () -> ()
    %add3A_45 = arith.constant 168 : i32
    %add3A_46 = arith.addi %mul3A_2, %add3A_45 : i32
    "tpu.region"() ({
      %run_scoped3A = tpu.sem_alloc : memref<!tpu.dma_semaphore, #tpu.memory_space<semaphore_mem>>
      %dma_start3A = arith.constant 0 : i32
      %dma_start3A_81 = arith.constant 0 : i32
      %dma_start3A_82 = tpu.memref_slice %arg9[%dma_start3A, %dma_start3A_81] : memref<56x128xf32, #tpu.memory_space<vmem>> -> memref<56x128xf32, #tpu.memory_space<vmem>>
      %dma_start3A_83 = arith.constant 0 : i32
      %dma_start3A_84 = tpu.memref_slice %arg17[%add3A_46, %dma_start3A_83] : memref<10112x128xf32, #tpu.memory_space<vmem_shared>> -> memref<56x128xf32, #tpu.memory_space<vmem_shared>>
      %dma_start3A_85 = arith.constant 0 : i32
      %dma_start3A_86 = arith.constant 0 : i32
      %dma_start3A_87 = tpu.memref_slice %arg9[%dma_start3A_85, %dma_start3A_86] : memref<56x128xf32, #tpu.memory_space<vmem>> -> memref<56x128xf32, #tpu.memory_space<vmem>>
      %dma_start3A_88 = arith.constant 0 : i32
      %dma_start3A_89 = tpu.memref_slice %arg17[%add3A_46, %dma_start3A_88] : memref<10112x128xf32, #tpu.memory_space<vmem_shared>> -> memref<56x128xf32, #tpu.memory_space<vmem_shared>>
      tpu.enqueue_dma source(%dma_start3A_89 : memref<56x128xf32, #tpu.memory_space<vmem_shared>>) target(%dma_start3A_87 : memref<56x128xf32, #tpu.memory_space<vmem>>) target_semaphore(%run_scoped3A : memref<!tpu.dma_semaphore, #tpu.memory_space<semaphore_mem>>)
      %dma_wait3A = arith.constant 0 : i32
      %dma_wait3A_90 = arith.constant 0 : i32
      %dma_wait3A_91 = tpu.memref_slice %arg9[%dma_wait3A, %dma_wait3A_90] : memref<56x128xf32, #tpu.memory_space<vmem>> -> memref<56x128xf32, #tpu.memory_space<vmem>>
      %dma_wait3A_92 = arith.constant 0 : i32
      %dma_wait3A_93 = tpu.memref_slice %arg17[%add3A_46, %dma_wait3A_92] : memref<10112x128xf32, #tpu.memory_space<vmem_shared>> -> memref<56x128xf32, #tpu.memory_space<vmem_shared>>
      %dma_wait3A_94 = arith.constant 0 : i32
      %dma_wait3A_95 = arith.constant 0 : i32
      %dma_wait3A_96 = tpu.memref_slice %arg9[%dma_wait3A_94, %dma_wait3A_95] : memref<56x128xf32, #tpu.memory_space<vmem>> -> memref<56x128xf32, #tpu.memory_space<vmem>>
      %dma_wait3A_97 = arith.constant 0 : i32
      %dma_wait3A_98 = tpu.memref_slice %arg17[%add3A_46, %dma_wait3A_97] : memref<10112x128xf32, #tpu.memory_space<vmem_shared>> -> memref<56x128xf32, #tpu.memory_space<vmem_shared>>
      tpu.wait_dma2 semaphore(%run_scoped3A : memref<!tpu.dma_semaphore, #tpu.memory_space<semaphore_mem>>) src(%dma_wait3A_98 : memref<56x128xf32, #tpu.memory_space<vmem_shared>>) dst(%dma_wait3A_96 : memref<56x128xf32, #tpu.memory_space<vmem>>)
      tpu.yield
    }) : () -> ()
    %add3A_47 = arith.constant 168 : i32
    %add3A_48 = arith.addi %mul3A_2, %add3A_47 : i32
    "tpu.region"() ({
      %run_scoped3A = tpu.sem_alloc : memref<!tpu.dma_semaphore, #tpu.memory_space<semaphore_mem>>
      %dma_start3A = arith.constant 0 : i32
      %dma_start3A_81 = arith.constant 0 : i32
      %dma_start3A_82 = tpu.memref_slice %arg9[%dma_start3A, %dma_start3A_81] : memref<56x128xf32, #tpu.memory_space<vmem>> -> memref<56x128xf32, #tpu.memory_space<vmem>>
      %dma_start3A_83 = arith.constant 0 : i32
      %dma_start3A_84 = tpu.memref_slice %arg6[%arg0, %add3A_48, %dma_start3A_83] : memref<2x10112x128xf32, #tpu.memory_space<hbm>> -> memref<1x56x128xf32, #tpu.memory_space<hbm>>
      %dma_start3A_85 = tpu.memref_squeeze %dma_start3A_84 : memref<1x56x128xf32, #tpu.memory_space<hbm>> -> memref<56x128xf32, #tpu.memory_space<hbm>>
      %dma_start3A_86 = arith.constant 0 : i32
      %dma_start3A_87 = tpu.memref_slice %arg6[%arg0, %add3A_48, %dma_start3A_86] : memref<2x10112x128xf32, #tpu.memory_space<hbm>> -> memref<1x56x128xf32, #tpu.memory_space<hbm>>
      %dma_start3A_88 = tpu.memref_squeeze %dma_start3A_87 : memref<1x56x128xf32, #tpu.memory_space<hbm>> -> memref<56x128xf32, #tpu.memory_space<hbm>>
      %dma_start3A_89 = arith.constant 0 : i32
      %dma_start3A_90 = arith.constant 0 : i32
      %dma_start3A_91 = tpu.memref_slice %arg9[%dma_start3A_89, %dma_start3A_90] : memref<56x128xf32, #tpu.memory_space<vmem>> -> memref<56x128xf32, #tpu.memory_space<vmem>>
      tpu.enqueue_dma source(%dma_start3A_91 : memref<56x128xf32, #tpu.memory_space<vmem>>) target(%dma_start3A_88 : memref<56x128xf32, #tpu.memory_space<hbm>>) target_semaphore(%run_scoped3A : memref<!tpu.dma_semaphore, #tpu.memory_space<semaphore_mem>>)
      %dma_wait3A = arith.constant 0 : i32
      %dma_wait3A_92 = arith.constant 0 : i32
      %dma_wait3A_93 = tpu.memref_slice %arg9[%dma_wait3A, %dma_wait3A_92] : memref<56x128xf32, #tpu.memory_space<vmem>> -> memref<56x128xf32, #tpu.memory_space<vmem>>
      %dma_wait3A_94 = arith.constant 0 : i32
      %dma_wait3A_95 = tpu.memref_slice %arg6[%arg0, %add3A_48, %dma_wait3A_94] : memref<2x10112x128xf32, #tpu.memory_space<hbm>> -> memref<1x56x128xf32, #tpu.memory_space<hbm>>
      %dma_wait3A_96 = tpu.memref_squeeze %dma_wait3A_95 : memref<1x56x128xf32, #tpu.memory_space<hbm>> -> memref<56x128xf32, #tpu.memory_space<hbm>>
      %dma_wait3A_97 = arith.constant 0 : i32
      %dma_wait3A_98 = tpu.memref_slice %arg6[%arg0, %add3A_48, %dma_wait3A_97] : memref<2x10112x128xf32, #tpu.memory_space<hbm>> -> memref<1x56x128xf32, #tpu.memory_space<hbm>>
      %dma_wait3A_99 = tpu.memref_squeeze %dma_wait3A_98 : memref<1x56x128xf32, #tpu.memory_space<hbm>> -> memref<56x128xf32, #tpu.memory_space<hbm>>
      %dma_wait3A_100 = arith.constant 0 : i32
      %dma_wait3A_101 = arith.constant 0 : i32
      %dma_wait3A_102 = tpu.memref_slice %arg9[%dma_wait3A_100, %dma_wait3A_101] : memref<56x128xf32, #tpu.memory_space<vmem>> -> memref<56x128xf32, #tpu.memory_space<vmem>>
      tpu.wait_dma2 semaphore(%run_scoped3A : memref<!tpu.dma_semaphore, #tpu.memory_space<semaphore_mem>>) src(%dma_wait3A_102 : memref<56x128xf32, #tpu.memory_space<vmem>>) dst(%dma_wait3A_99 : memref<56x128xf32, #tpu.memory_space<hbm>>)
      tpu.yield
    }) : () -> ()
    %add3A_49 = arith.constant 224 : i32
    %add3A_50 = arith.addi %mul3A_2, %add3A_49 : i32
    "tpu.region"() ({
      %run_scoped3A = tpu.sem_alloc : memref<!tpu.dma_semaphore, #tpu.memory_space<semaphore_mem>>
      %dma_start3A = arith.constant 0 : i32
      %dma_start3A_81 = arith.constant 0 : i32
      %dma_start3A_82 = tpu.memref_slice %arg9[%dma_start3A, %dma_start3A_81] : memref<56x128xf32, #tpu.memory_space<vmem>> -> memref<56x128xf32, #tpu.memory_space<vmem>>
      %dma_start3A_83 = arith.constant 0 : i32
      %dma_start3A_84 = tpu.memref_slice %arg17[%add3A_50, %dma_start3A_83] : memref<10112x128xf32, #tpu.memory_space<vmem_shared>> -> memref<56x128xf32, #tpu.memory_space<vmem_shared>>
      %dma_start3A_85 = arith.constant 0 : i32
      %dma_start3A_86 = arith.constant 0 : i32
      %dma_start3A_87 = tpu.memref_slice %arg9[%dma_start3A_85, %dma_start3A_86] : memref<56x128xf32, #tpu.memory_space<vmem>> -> memref<56x128xf32, #tpu.memory_space<vmem>>
      %dma_start3A_88 = arith.constant 0 : i32
      %dma_start3A_89 = tpu.memref_slice %arg17[%add3A_50, %dma_start3A_88] : memref<10112x128xf32, #tpu.memory_space<vmem_shared>> -> memref<56x128xf32, #tpu.memory_space<vmem_shared>>
      tpu.enqueue_dma source(%dma_start3A_89 : memref<56x128xf32, #tpu.memory_space<vmem_shared>>) target(%dma_start3A_87 : memref<56x128xf32, #tpu.memory_space<vmem>>) target_semaphore(%run_scoped3A : memref<!tpu.dma_semaphore, #tpu.memory_space<semaphore_mem>>)
      %dma_wait3A = arith.constant 0 : i32
      %dma_wait3A_90 = arith.constant 0 : i32
      %dma_wait3A_91 = tpu.memref_slice %arg9[%dma_wait3A, %dma_wait3A_90] : memref<56x128xf32, #tpu.memory_space<vmem>> -> memref<56x128xf32, #tpu.memory_space<vmem>>
      %dma_wait3A_92 = arith.constant 0 : i32
      %dma_wait3A_93 = tpu.memref_slice %arg17[%add3A_50, %dma_wait3A_92] : memref<10112x128xf32, #tpu.memory_space<vmem_shared>> -> memref<56x128xf32, #tpu.memory_space<vmem_shared>>
      %dma_wait3A_94 = arith.constant 0 : i32
      %dma_wait3A_95 = arith.constant 0 : i32
      %dma_wait3A_96 = tpu.memref_slice %arg9[%dma_wait3A_94, %dma_wait3A_95] : memref<56x128xf32, #tpu.memory_space<vmem>> -> memref<56x128xf32, #tpu.memory_space<vmem>>
      %dma_wait3A_97 = arith.constant 0 : i32
      %dma_wait3A_98 = tpu.memref_slice %arg17[%add3A_50, %dma_wait3A_97] : memref<10112x128xf32, #tpu.memory_space<vmem_shared>> -> memref<56x128xf32, #tpu.memory_space<vmem_shared>>
      tpu.wait_dma2 semaphore(%run_scoped3A : memref<!tpu.dma_semaphore, #tpu.memory_space<semaphore_mem>>) src(%dma_wait3A_98 : memref<56x128xf32, #tpu.memory_space<vmem_shared>>) dst(%dma_wait3A_96 : memref<56x128xf32, #tpu.memory_space<vmem>>)
      tpu.yield
    }) : () -> ()
    %add3A_51 = arith.constant 224 : i32
    %add3A_52 = arith.addi %mul3A_2, %add3A_51 : i32
    "tpu.region"() ({
      %run_scoped3A = tpu.sem_alloc : memref<!tpu.dma_semaphore, #tpu.memory_space<semaphore_mem>>
      %dma_start3A = arith.constant 0 : i32
      %dma_start3A_81 = arith.constant 0 : i32
      %dma_start3A_82 = tpu.memref_slice %arg9[%dma_start3A, %dma_start3A_81] : memref<56x128xf32, #tpu.memory_space<vmem>> -> memref<56x128xf32, #tpu.memory_space<vmem>>
      %dma_start3A_83 = arith.constant 0 : i32
      %dma_start3A_84 = tpu.memref_slice %arg6[%arg0, %add3A_52, %dma_start3A_83] : memref<2x10112x128xf32, #tpu.memory_space<hbm>> -> memref<1x56x128xf32, #tpu.memory_space<hbm>>
      %dma_start3A_85 = tpu.memref_squeeze %dma_start3A_84 : memref<1x56x128xf32, #tpu.memory_space<hbm>> -> memref<56x128xf32, #tpu.memory_space<hbm>>
      %dma_start3A_86 = arith.constant 0 : i32
      %dma_start3A_87 = tpu.memref_slice %arg6[%arg0, %add3A_52, %dma_start3A_86] : memref<2x10112x128xf32, #tpu.memory_space<hbm>> -> memref<1x56x128xf32, #tpu.memory_space<hbm>>
      %dma_start3A_88 = tpu.memref_squeeze %dma_start3A_87 : memref<1x56x128xf32, #tpu.memory_space<hbm>> -> memref<56x128xf32, #tpu.memory_space<hbm>>
      %dma_start3A_89 = arith.constant 0 : i32
      %dma_start3A_90 = arith.constant 0 : i32
      %dma_start3A_91 = tpu.memref_slice %arg9[%dma_start3A_89, %dma_start3A_90] : memref<56x128xf32, #tpu.memory_space<vmem>> -> memref<56x128xf32, #tpu.memory_space<vmem>>
      tpu.enqueue_dma source(%dma_start3A_91 : memref<56x128xf32, #tpu.memory_space<vmem>>) target(%dma_start3A_88 : memref<56x128xf32, #tpu.memory_space<hbm>>) target_semaphore(%run_scoped3A : memref<!tpu.dma_semaphore, #tpu.memory_space<semaphore_mem>>)
      %dma_wait3A = arith.constant 0 : i32
      %dma_wait3A_92 = arith.constant 0 : i32
      %dma_wait3A_93 = tpu.memref_slice %arg9[%dma_wait3A, %dma_wait3A_92] : memref<56x128xf32, #tpu.memory_space<vmem>> -> memref<56x128xf32, #tpu.memory_space<vmem>>
      %dma_wait3A_94 = arith.constant 0 : i32
      %dma_wait3A_95 = tpu.memref_slice %arg6[%arg0, %add3A_52, %dma_wait3A_94] : memref<2x10112x128xf32, #tpu.memory_space<hbm>> -> memref<1x56x128xf32, #tpu.memory_space<hbm>>
      %dma_wait3A_96 = tpu.memref_squeeze %dma_wait3A_95 : memref<1x56x128xf32, #tpu.memory_space<hbm>> -> memref<56x128xf32, #tpu.memory_space<hbm>>
      %dma_wait3A_97 = arith.constant 0 : i32
      %dma_wait3A_98 = tpu.memref_slice %arg6[%arg0, %add3A_52, %dma_wait3A_97] : memref<2x10112x128xf32, #tpu.memory_space<hbm>> -> memref<1x56x128xf32, #tpu.memory_space<hbm>>
      %dma_wait3A_99 = tpu.memref_squeeze %dma_wait3A_98 : memref<1x56x128xf32, #tpu.memory_space<hbm>> -> memref<56x128xf32, #tpu.memory_space<hbm>>
      %dma_wait3A_100 = arith.constant 0 : i32
      %dma_wait3A_101 = arith.constant 0 : i32
      %dma_wait3A_102 = tpu.memref_slice %arg9[%dma_wait3A_100, %dma_wait3A_101] : memref<56x128xf32, #tpu.memory_space<vmem>> -> memref<56x128xf32, #tpu.memory_space<vmem>>
      tpu.wait_dma2 semaphore(%run_scoped3A : memref<!tpu.dma_semaphore, #tpu.memory_space<semaphore_mem>>) src(%dma_wait3A_102 : memref<56x128xf32, #tpu.memory_space<vmem>>) dst(%dma_wait3A_99 : memref<56x128xf32, #tpu.memory_space<hbm>>)
      tpu.yield
    }) : () -> ()
    %add3A_53 = arith.constant 280 : i32
    %add3A_54 = arith.addi %mul3A_2, %add3A_53 : i32
    "tpu.region"() ({
      %run_scoped3A = tpu.sem_alloc : memref<!tpu.dma_semaphore, #tpu.memory_space<semaphore_mem>>
      %dma_start3A = arith.constant 0 : i32
      %dma_start3A_81 = arith.constant 0 : i32
      %dma_start3A_82 = tpu.memref_slice %arg9[%dma_start3A, %dma_start3A_81] : memref<56x128xf32, #tpu.memory_space<vmem>> -> memref<56x128xf32, #tpu.memory_space<vmem>>
      %dma_start3A_83 = arith.constant 0 : i32
      %dma_start3A_84 = tpu.memref_slice %arg17[%add3A_54, %dma_start3A_83] : memref<10112x128xf32, #tpu.memory_space<vmem_shared>> -> memref<56x128xf32, #tpu.memory_space<vmem_shared>>
      %dma_start3A_85 = arith.constant 0 : i32
      %dma_start3A_86 = arith.constant 0 : i32
      %dma_start3A_87 = tpu.memref_slice %arg9[%dma_start3A_85, %dma_start3A_86] : memref<56x128xf32, #tpu.memory_space<vmem>> -> memref<56x128xf32, #tpu.memory_space<vmem>>
      %dma_start3A_88 = arith.constant 0 : i32
      %dma_start3A_89 = tpu.memref_slice %arg17[%add3A_54, %dma_start3A_88] : memref<10112x128xf32, #tpu.memory_space<vmem_shared>> -> memref<56x128xf32, #tpu.memory_space<vmem_shared>>
      tpu.enqueue_dma source(%dma_start3A_89 : memref<56x128xf32, #tpu.memory_space<vmem_shared>>) target(%dma_start3A_87 : memref<56x128xf32, #tpu.memory_space<vmem>>) target_semaphore(%run_scoped3A : memref<!tpu.dma_semaphore, #tpu.memory_space<semaphore_mem>>)
      %dma_wait3A = arith.constant 0 : i32
      %dma_wait3A_90 = arith.constant 0 : i32
      %dma_wait3A_91 = tpu.memref_slice %arg9[%dma_wait3A, %dma_wait3A_90] : memref<56x128xf32, #tpu.memory_space<vmem>> -> memref<56x128xf32, #tpu.memory_space<vmem>>
      %dma_wait3A_92 = arith.constant 0 : i32
      %dma_wait3A_93 = tpu.memref_slice %arg17[%add3A_54, %dma_wait3A_92] : memref<10112x128xf32, #tpu.memory_space<vmem_shared>> -> memref<56x128xf32, #tpu.memory_space<vmem_shared>>
      %dma_wait3A_94 = arith.constant 0 : i32
      %dma_wait3A_95 = arith.constant 0 : i32
      %dma_wait3A_96 = tpu.memref_slice %arg9[%dma_wait3A_94, %dma_wait3A_95] : memref<56x128xf32, #tpu.memory_space<vmem>> -> memref<56x128xf32, #tpu.memory_space<vmem>>
      %dma_wait3A_97 = arith.constant 0 : i32
      %dma_wait3A_98 = tpu.memref_slice %arg17[%add3A_54, %dma_wait3A_97] : memref<10112x128xf32, #tpu.memory_space<vmem_shared>> -> memref<56x128xf32, #tpu.memory_space<vmem_shared>>
      tpu.wait_dma2 semaphore(%run_scoped3A : memref<!tpu.dma_semaphore, #tpu.memory_space<semaphore_mem>>) src(%dma_wait3A_98 : memref<56x128xf32, #tpu.memory_space<vmem_shared>>) dst(%dma_wait3A_96 : memref<56x128xf32, #tpu.memory_space<vmem>>)
      tpu.yield
    }) : () -> ()
    %add3A_55 = arith.constant 280 : i32
    %add3A_56 = arith.addi %mul3A_2, %add3A_55 : i32
    "tpu.region"() ({
      %run_scoped3A = tpu.sem_alloc : memref<!tpu.dma_semaphore, #tpu.memory_space<semaphore_mem>>
      %dma_start3A = arith.constant 0 : i32
      %dma_start3A_81 = arith.constant 0 : i32
      %dma_start3A_82 = tpu.memref_slice %arg9[%dma_start3A, %dma_start3A_81] : memref<56x128xf32, #tpu.memory_space<vmem>> -> memref<56x128xf32, #tpu.memory_space<vmem>>
      %dma_start3A_83 = arith.constant 0 : i32
      %dma_start3A_84 = tpu.memref_slice %arg6[%arg0, %add3A_56, %dma_start3A_83] : memref<2x10112x128xf32, #tpu.memory_space<hbm>> -> memref<1x56x128xf32, #tpu.memory_space<hbm>>
      %dma_start3A_85 = tpu.memref_squeeze %dma_start3A_84 : memref<1x56x128xf32, #tpu.memory_space<hbm>> -> memref<56x128xf32, #tpu.memory_space<hbm>>
      %dma_start3A_86 = arith.constant 0 : i32
      %dma_start3A_87 = tpu.memref_slice %arg6[%arg0, %add3A_56, %dma_start3A_86] : memref<2x10112x128xf32, #tpu.memory_space<hbm>> -> memref<1x56x128xf32, #tpu.memory_space<hbm>>
      %dma_start3A_88 = tpu.memref_squeeze %dma_start3A_87 : memref<1x56x128xf32, #tpu.memory_space<hbm>> -> memref<56x128xf32, #tpu.memory_space<hbm>>
      %dma_start3A_89 = arith.constant 0 : i32
      %dma_start3A_90 = arith.constant 0 : i32
      %dma_start3A_91 = tpu.memref_slice %arg9[%dma_start3A_89, %dma_start3A_90] : memref<56x128xf32, #tpu.memory_space<vmem>> -> memref<56x128xf32, #tpu.memory_space<vmem>>
      tpu.enqueue_dma source(%dma_start3A_91 : memref<56x128xf32, #tpu.memory_space<vmem>>) target(%dma_start3A_88 : memref<56x128xf32, #tpu.memory_space<hbm>>) target_semaphore(%run_scoped3A : memref<!tpu.dma_semaphore, #tpu.memory_space<semaphore_mem>>)
      %dma_wait3A = arith.constant 0 : i32
      %dma_wait3A_92 = arith.constant 0 : i32
      %dma_wait3A_93 = tpu.memref_slice %arg9[%dma_wait3A, %dma_wait3A_92] : memref<56x128xf32, #tpu.memory_space<vmem>> -> memref<56x128xf32, #tpu.memory_space<vmem>>
      %dma_wait3A_94 = arith.constant 0 : i32
      %dma_wait3A_95 = tpu.memref_slice %arg6[%arg0, %add3A_56, %dma_wait3A_94] : memref<2x10112x128xf32, #tpu.memory_space<hbm>> -> memref<1x56x128xf32, #tpu.memory_space<hbm>>
      %dma_wait3A_96 = tpu.memref_squeeze %dma_wait3A_95 : memref<1x56x128xf32, #tpu.memory_space<hbm>> -> memref<56x128xf32, #tpu.memory_space<hbm>>
      %dma_wait3A_97 = arith.constant 0 : i32
      %dma_wait3A_98 = tpu.memref_slice %arg6[%arg0, %add3A_56, %dma_wait3A_97] : memref<2x10112x128xf32, #tpu.memory_space<hbm>> -> memref<1x56x128xf32, #tpu.memory_space<hbm>>
      %dma_wait3A_99 = tpu.memref_squeeze %dma_wait3A_98 : memref<1x56x128xf32, #tpu.memory_space<hbm>> -> memref<56x128xf32, #tpu.memory_space<hbm>>
      %dma_wait3A_100 = arith.constant 0 : i32
      %dma_wait3A_101 = arith.constant 0 : i32
      %dma_wait3A_102 = tpu.memref_slice %arg9[%dma_wait3A_100, %dma_wait3A_101] : memref<56x128xf32, #tpu.memory_space<vmem>> -> memref<56x128xf32, #tpu.memory_space<vmem>>
      tpu.wait_dma2 semaphore(%run_scoped3A : memref<!tpu.dma_semaphore, #tpu.memory_space<semaphore_mem>>) src(%dma_wait3A_102 : memref<56x128xf32, #tpu.memory_space<vmem>>) dst(%dma_wait3A_99 : memref<56x128xf32, #tpu.memory_space<hbm>>)
      tpu.yield
    }) : () -> ()
    %add3A_57 = arith.constant 336 : i32
    %add3A_58 = arith.addi %mul3A_2, %add3A_57 : i32
    "tpu.region"() ({
      %run_scoped3A = tpu.sem_alloc : memref<!tpu.dma_semaphore, #tpu.memory_space<semaphore_mem>>
      %dma_start3A = arith.constant 0 : i32
      %dma_start3A_81 = arith.constant 0 : i32
      %dma_start3A_82 = tpu.memref_slice %arg9[%dma_start3A, %dma_start3A_81] : memref<56x128xf32, #tpu.memory_space<vmem>> -> memref<56x128xf32, #tpu.memory_space<vmem>>
      %dma_start3A_83 = arith.constant 0 : i32
      %dma_start3A_84 = tpu.memref_slice %arg17[%add3A_58, %dma_start3A_83] : memref<10112x128xf32, #tpu.memory_space<vmem_shared>> -> memref<56x128xf32, #tpu.memory_space<vmem_shared>>
      %dma_start3A_85 = arith.constant 0 : i32
      %dma_start3A_86 = arith.constant 0 : i32
      %dma_start3A_87 = tpu.memref_slice %arg9[%dma_start3A_85, %dma_start3A_86] : memref<56x128xf32, #tpu.memory_space<vmem>> -> memref<56x128xf32, #tpu.memory_space<vmem>>
      %dma_start3A_88 = arith.constant 0 : i32
      %dma_start3A_89 = tpu.memref_slice %arg17[%add3A_58, %dma_start3A_88] : memref<10112x128xf32, #tpu.memory_space<vmem_shared>> -> memref<56x128xf32, #tpu.memory_space<vmem_shared>>
      tpu.enqueue_dma source(%dma_start3A_89 : memref<56x128xf32, #tpu.memory_space<vmem_shared>>) target(%dma_start3A_87 : memref<56x128xf32, #tpu.memory_space<vmem>>) target_semaphore(%run_scoped3A : memref<!tpu.dma_semaphore, #tpu.memory_space<semaphore_mem>>)
      %dma_wait3A = arith.constant 0 : i32
      %dma_wait3A_90 = arith.constant 0 : i32
      %dma_wait3A_91 = tpu.memref_slice %arg9[%dma_wait3A, %dma_wait3A_90] : memref<56x128xf32, #tpu.memory_space<vmem>> -> memref<56x128xf32, #tpu.memory_space<vmem>>
      %dma_wait3A_92 = arith.constant 0 : i32
      %dma_wait3A_93 = tpu.memref_slice %arg17[%add3A_58, %dma_wait3A_92] : memref<10112x128xf32, #tpu.memory_space<vmem_shared>> -> memref<56x128xf32, #tpu.memory_space<vmem_shared>>
      %dma_wait3A_94 = arith.constant 0 : i32
      %dma_wait3A_95 = arith.constant 0 : i32
      %dma_wait3A_96 = tpu.memref_slice %arg9[%dma_wait3A_94, %dma_wait3A_95] : memref<56x128xf32, #tpu.memory_space<vmem>> -> memref<56x128xf32, #tpu.memory_space<vmem>>
      %dma_wait3A_97 = arith.constant 0 : i32
      %dma_wait3A_98 = tpu.memref_slice %arg17[%add3A_58, %dma_wait3A_97] : memref<10112x128xf32, #tpu.memory_space<vmem_shared>> -> memref<56x128xf32, #tpu.memory_space<vmem_shared>>
      tpu.wait_dma2 semaphore(%run_scoped3A : memref<!tpu.dma_semaphore, #tpu.memory_space<semaphore_mem>>) src(%dma_wait3A_98 : memref<56x128xf32, #tpu.memory_space<vmem_shared>>) dst(%dma_wait3A_96 : memref<56x128xf32, #tpu.memory_space<vmem>>)
      tpu.yield
    }) : () -> ()
    %add3A_59 = arith.constant 336 : i32
    %add3A_60 = arith.addi %mul3A_2, %add3A_59 : i32
    "tpu.region"() ({
      %run_scoped3A = tpu.sem_alloc : memref<!tpu.dma_semaphore, #tpu.memory_space<semaphore_mem>>
      %dma_start3A = arith.constant 0 : i32
      %dma_start3A_81 = arith.constant 0 : i32
      %dma_start3A_82 = tpu.memref_slice %arg9[%dma_start3A, %dma_start3A_81] : memref<56x128xf32, #tpu.memory_space<vmem>> -> memref<56x128xf32, #tpu.memory_space<vmem>>
      %dma_start3A_83 = arith.constant 0 : i32
      %dma_start3A_84 = tpu.memref_slice %arg6[%arg0, %add3A_60, %dma_start3A_83] : memref<2x10112x128xf32, #tpu.memory_space<hbm>> -> memref<1x56x128xf32, #tpu.memory_space<hbm>>
      %dma_start3A_85 = tpu.memref_squeeze %dma_start3A_84 : memref<1x56x128xf32, #tpu.memory_space<hbm>> -> memref<56x128xf32, #tpu.memory_space<hbm>>
      %dma_start3A_86 = arith.constant 0 : i32
      %dma_start3A_87 = tpu.memref_slice %arg6[%arg0, %add3A_60, %dma_start3A_86] : memref<2x10112x128xf32, #tpu.memory_space<hbm>> -> memref<1x56x128xf32, #tpu.memory_space<hbm>>
      %dma_start3A_88 = tpu.memref_squeeze %dma_start3A_87 : memref<1x56x128xf32, #tpu.memory_space<hbm>> -> memref<56x128xf32, #tpu.memory_space<hbm>>
      %dma_start3A_89 = arith.constant 0 : i32
      %dma_start3A_90 = arith.constant 0 : i32
      %dma_start3A_91 = tpu.memref_slice %arg9[%dma_start3A_89, %dma_start3A_90] : memref<56x128xf32, #tpu.memory_space<vmem>> -> memref<56x128xf32, #tpu.memory_space<vmem>>
      tpu.enqueue_dma source(%dma_start3A_91 : memref<56x128xf32, #tpu.memory_space<vmem>>) target(%dma_start3A_88 : memref<56x128xf32, #tpu.memory_space<hbm>>) target_semaphore(%run_scoped3A : memref<!tpu.dma_semaphore, #tpu.memory_space<semaphore_mem>>)
      %dma_wait3A = arith.constant 0 : i32
      %dma_wait3A_92 = arith.constant 0 : i32
      %dma_wait3A_93 = tpu.memref_slice %arg9[%dma_wait3A, %dma_wait3A_92] : memref<56x128xf32, #tpu.memory_space<vmem>> -> memref<56x128xf32, #tpu.memory_space<vmem>>
      %dma_wait3A_94 = arith.constant 0 : i32
      %dma_wait3A_95 = tpu.memref_slice %arg6[%arg0, %add3A_60, %dma_wait3A_94] : memref<2x10112x128xf32, #tpu.memory_space<hbm>> -> memref<1x56x128xf32, #tpu.memory_space<hbm>>
      %dma_wait3A_96 = tpu.memref_squeeze %dma_wait3A_95 : memref<1x56x128xf32, #tpu.memory_space<hbm>> -> memref<56x128xf32, #tpu.memory_space<hbm>>
      %dma_wait3A_97 = arith.constant 0 : i32
      %dma_wait3A_98 = tpu.memref_slice %arg6[%arg0, %add3A_60, %dma_wait3A_97] : memref<2x10112x128xf32, #tpu.memory_space<hbm>> -> memref<1x56x128xf32, #tpu.memory_space<hbm>>
      %dma_wait3A_99 = tpu.memref_squeeze %dma_wait3A_98 : memref<1x56x128xf32, #tpu.memory_space<hbm>> -> memref<56x128xf32, #tpu.memory_space<hbm>>
      %dma_wait3A_100 = arith.constant 0 : i32
      %dma_wait3A_101 = arith.constant 0 : i32
      %dma_wait3A_102 = tpu.memref_slice %arg9[%dma_wait3A_100, %dma_wait3A_101] : memref<56x128xf32, #tpu.memory_space<vmem>> -> memref<56x128xf32, #tpu.memory_space<vmem>>
      tpu.wait_dma2 semaphore(%run_scoped3A : memref<!tpu.dma_semaphore, #tpu.memory_space<semaphore_mem>>) src(%dma_wait3A_102 : memref<56x128xf32, #tpu.memory_space<vmem>>) dst(%dma_wait3A_99 : memref<56x128xf32, #tpu.memory_space<hbm>>)
      tpu.yield
    }) : () -> ()
    %add3A_61 = arith.constant 392 : i32
    %add3A_62 = arith.addi %mul3A_2, %add3A_61 : i32
    "tpu.region"() ({
      %run_scoped3A = tpu.sem_alloc : memref<!tpu.dma_semaphore, #tpu.memory_space<semaphore_mem>>
      %dma_start3A = arith.constant 0 : i32
      %dma_start3A_81 = arith.constant 0 : i32
      %dma_start3A_82 = tpu.memref_slice %arg9[%dma_start3A, %dma_start3A_81] : memref<56x128xf32, #tpu.memory_space<vmem>> -> memref<56x128xf32, #tpu.memory_space<vmem>>
      %dma_start3A_83 = arith.constant 0 : i32
      %dma_start3A_84 = tpu.memref_slice %arg17[%add3A_62, %dma_start3A_83] : memref<10112x128xf32, #tpu.memory_space<vmem_shared>> -> memref<56x128xf32, #tpu.memory_space<vmem_shared>>
      %dma_start3A_85 = arith.constant 0 : i32
      %dma_start3A_86 = arith.constant 0 : i32
      %dma_start3A_87 = tpu.memref_slice %arg9[%dma_start3A_85, %dma_start3A_86] : memref<56x128xf32, #tpu.memory_space<vmem>> -> memref<56x128xf32, #tpu.memory_space<vmem>>
      %dma_start3A_88 = arith.constant 0 : i32
      %dma_start3A_89 = tpu.memref_slice %arg17[%add3A_62, %dma_start3A_88] : memref<10112x128xf32, #tpu.memory_space<vmem_shared>> -> memref<56x128xf32, #tpu.memory_space<vmem_shared>>
      tpu.enqueue_dma source(%dma_start3A_89 : memref<56x128xf32, #tpu.memory_space<vmem_shared>>) target(%dma_start3A_87 : memref<56x128xf32, #tpu.memory_space<vmem>>) target_semaphore(%run_scoped3A : memref<!tpu.dma_semaphore, #tpu.memory_space<semaphore_mem>>)
      %dma_wait3A = arith.constant 0 : i32
      %dma_wait3A_90 = arith.constant 0 : i32
      %dma_wait3A_91 = tpu.memref_slice %arg9[%dma_wait3A, %dma_wait3A_90] : memref<56x128xf32, #tpu.memory_space<vmem>> -> memref<56x128xf32, #tpu.memory_space<vmem>>
      %dma_wait3A_92 = arith.constant 0 : i32
      %dma_wait3A_93 = tpu.memref_slice %arg17[%add3A_62, %dma_wait3A_92] : memref<10112x128xf32, #tpu.memory_space<vmem_shared>> -> memref<56x128xf32, #tpu.memory_space<vmem_shared>>
      %dma_wait3A_94 = arith.constant 0 : i32
      %dma_wait3A_95 = arith.constant 0 : i32
      %dma_wait3A_96 = tpu.memref_slice %arg9[%dma_wait3A_94, %dma_wait3A_95] : memref<56x128xf32, #tpu.memory_space<vmem>> -> memref<56x128xf32, #tpu.memory_space<vmem>>
      %dma_wait3A_97 = arith.constant 0 : i32
      %dma_wait3A_98 = tpu.memref_slice %arg17[%add3A_62, %dma_wait3A_97] : memref<10112x128xf32, #tpu.memory_space<vmem_shared>> -> memref<56x128xf32, #tpu.memory_space<vmem_shared>>
      tpu.wait_dma2 semaphore(%run_scoped3A : memref<!tpu.dma_semaphore, #tpu.memory_space<semaphore_mem>>) src(%dma_wait3A_98 : memref<56x128xf32, #tpu.memory_space<vmem_shared>>) dst(%dma_wait3A_96 : memref<56x128xf32, #tpu.memory_space<vmem>>)
      tpu.yield
    }) : () -> ()
    %add3A_63 = arith.constant 392 : i32
    %add3A_64 = arith.addi %mul3A_2, %add3A_63 : i32
    "tpu.region"() ({
      %run_scoped3A = tpu.sem_alloc : memref<!tpu.dma_semaphore, #tpu.memory_space<semaphore_mem>>
      %dma_start3A = arith.constant 0 : i32
      %dma_start3A_81 = arith.constant 0 : i32
      %dma_start3A_82 = tpu.memref_slice %arg9[%dma_start3A, %dma_start3A_81] : memref<56x128xf32, #tpu.memory_space<vmem>> -> memref<56x128xf32, #tpu.memory_space<vmem>>
      %dma_start3A_83 = arith.constant 0 : i32
      %dma_start3A_84 = tpu.memref_slice %arg6[%arg0, %add3A_64, %dma_start3A_83] : memref<2x10112x128xf32, #tpu.memory_space<hbm>> -> memref<1x56x128xf32, #tpu.memory_space<hbm>>
      %dma_start3A_85 = tpu.memref_squeeze %dma_start3A_84 : memref<1x56x128xf32, #tpu.memory_space<hbm>> -> memref<56x128xf32, #tpu.memory_space<hbm>>
      %dma_start3A_86 = arith.constant 0 : i32
      %dma_start3A_87 = tpu.memref_slice %arg6[%arg0, %add3A_64, %dma_start3A_86] : memref<2x10112x128xf32, #tpu.memory_space<hbm>> -> memref<1x56x128xf32, #tpu.memory_space<hbm>>
      %dma_start3A_88 = tpu.memref_squeeze %dma_start3A_87 : memref<1x56x128xf32, #tpu.memory_space<hbm>> -> memref<56x128xf32, #tpu.memory_space<hbm>>
      %dma_start3A_89 = arith.constant 0 : i32
      %dma_start3A_90 = arith.constant 0 : i32
      %dma_start3A_91 = tpu.memref_slice %arg9[%dma_start3A_89, %dma_start3A_90] : memref<56x128xf32, #tpu.memory_space<vmem>> -> memref<56x128xf32, #tpu.memory_space<vmem>>
      tpu.enqueue_dma source(%dma_start3A_91 : memref<56x128xf32, #tpu.memory_space<vmem>>) target(%dma_start3A_88 : memref<56x128xf32, #tpu.memory_space<hbm>>) target_semaphore(%run_scoped3A : memref<!tpu.dma_semaphore, #tpu.memory_space<semaphore_mem>>)
      %dma_wait3A = arith.constant 0 : i32
      %dma_wait3A_92 = arith.constant 0 : i32
      %dma_wait3A_93 = tpu.memref_slice %arg9[%dma_wait3A, %dma_wait3A_92] : memref<56x128xf32, #tpu.memory_space<vmem>> -> memref<56x128xf32, #tpu.memory_space<vmem>>
      %dma_wait3A_94 = arith.constant 0 : i32
      %dma_wait3A_95 = tpu.memref_slice %arg6[%arg0, %add3A_64, %dma_wait3A_94] : memref<2x10112x128xf32, #tpu.memory_space<hbm>> -> memref<1x56x128xf32, #tpu.memory_space<hbm>>
      %dma_wait3A_96 = tpu.memref_squeeze %dma_wait3A_95 : memref<1x56x128xf32, #tpu.memory_space<hbm>> -> memref<56x128xf32, #tpu.memory_space<hbm>>
      %dma_wait3A_97 = arith.constant 0 : i32
      %dma_wait3A_98 = tpu.memref_slice %arg6[%arg0, %add3A_64, %dma_wait3A_97] : memref<2x10112x128xf32, #tpu.memory_space<hbm>> -> memref<1x56x128xf32, #tpu.memory_space<hbm>>
      %dma_wait3A_99 = tpu.memref_squeeze %dma_wait3A_98 : memref<1x56x128xf32, #tpu.memory_space<hbm>> -> memref<56x128xf32, #tpu.memory_space<hbm>>
      %dma_wait3A_100 = arith.constant 0 : i32
      %dma_wait3A_101 = arith.constant 0 : i32
      %dma_wait3A_102 = tpu.memref_slice %arg9[%dma_wait3A_100, %dma_wait3A_101] : memref<56x128xf32, #tpu.memory_space<vmem>> -> memref<56x128xf32, #tpu.memory_space<vmem>>
      tpu.wait_dma2 semaphore(%run_scoped3A : memref<!tpu.dma_semaphore, #tpu.memory_space<semaphore_mem>>) src(%dma_wait3A_102 : memref<56x128xf32, #tpu.memory_space<vmem>>) dst(%dma_wait3A_99 : memref<56x128xf32, #tpu.memory_space<hbm>>)
      tpu.yield
    }) : () -> ()
    %add3A_65 = arith.constant 448 : i32
    %add3A_66 = arith.addi %mul3A_2, %add3A_65 : i32
    "tpu.region"() ({
      %run_scoped3A = tpu.sem_alloc : memref<!tpu.dma_semaphore, #tpu.memory_space<semaphore_mem>>
      %dma_start3A = arith.constant 0 : i32
      %dma_start3A_81 = arith.constant 0 : i32
      %dma_start3A_82 = tpu.memref_slice %arg9[%dma_start3A, %dma_start3A_81] : memref<56x128xf32, #tpu.memory_space<vmem>> -> memref<56x128xf32, #tpu.memory_space<vmem>>
      %dma_start3A_83 = arith.constant 0 : i32
      %dma_start3A_84 = tpu.memref_slice %arg17[%add3A_66, %dma_start3A_83] : memref<10112x128xf32, #tpu.memory_space<vmem_shared>> -> memref<56x128xf32, #tpu.memory_space<vmem_shared>>
      %dma_start3A_85 = arith.constant 0 : i32
      %dma_start3A_86 = arith.constant 0 : i32
      %dma_start3A_87 = tpu.memref_slice %arg9[%dma_start3A_85, %dma_start3A_86] : memref<56x128xf32, #tpu.memory_space<vmem>> -> memref<56x128xf32, #tpu.memory_space<vmem>>
      %dma_start3A_88 = arith.constant 0 : i32
      %dma_start3A_89 = tpu.memref_slice %arg17[%add3A_66, %dma_start3A_88] : memref<10112x128xf32, #tpu.memory_space<vmem_shared>> -> memref<56x128xf32, #tpu.memory_space<vmem_shared>>
      tpu.enqueue_dma source(%dma_start3A_89 : memref<56x128xf32, #tpu.memory_space<vmem_shared>>) target(%dma_start3A_87 : memref<56x128xf32, #tpu.memory_space<vmem>>) target_semaphore(%run_scoped3A : memref<!tpu.dma_semaphore, #tpu.memory_space<semaphore_mem>>)
      %dma_wait3A = arith.constant 0 : i32
      %dma_wait3A_90 = arith.constant 0 : i32
      %dma_wait3A_91 = tpu.memref_slice %arg9[%dma_wait3A, %dma_wait3A_90] : memref<56x128xf32, #tpu.memory_space<vmem>> -> memref<56x128xf32, #tpu.memory_space<vmem>>
      %dma_wait3A_92 = arith.constant 0 : i32
      %dma_wait3A_93 = tpu.memref_slice %arg17[%add3A_66, %dma_wait3A_92] : memref<10112x128xf32, #tpu.memory_space<vmem_shared>> -> memref<56x128xf32, #tpu.memory_space<vmem_shared>>
      %dma_wait3A_94 = arith.constant 0 : i32
      %dma_wait3A_95 = arith.constant 0 : i32
      %dma_wait3A_96 = tpu.memref_slice %arg9[%dma_wait3A_94, %dma_wait3A_95] : memref<56x128xf32, #tpu.memory_space<vmem>> -> memref<56x128xf32, #tpu.memory_space<vmem>>
      %dma_wait3A_97 = arith.constant 0 : i32
      %dma_wait3A_98 = tpu.memref_slice %arg17[%add3A_66, %dma_wait3A_97] : memref<10112x128xf32, #tpu.memory_space<vmem_shared>> -> memref<56x128xf32, #tpu.memory_space<vmem_shared>>
      tpu.wait_dma2 semaphore(%run_scoped3A : memref<!tpu.dma_semaphore, #tpu.memory_space<semaphore_mem>>) src(%dma_wait3A_98 : memref<56x128xf32, #tpu.memory_space<vmem_shared>>) dst(%dma_wait3A_96 : memref<56x128xf32, #tpu.memory_space<vmem>>)
      tpu.yield
    }) : () -> ()
    %add3A_67 = arith.constant 448 : i32
    %add3A_68 = arith.addi %mul3A_2, %add3A_67 : i32
    "tpu.region"() ({
      %run_scoped3A = tpu.sem_alloc : memref<!tpu.dma_semaphore, #tpu.memory_space<semaphore_mem>>
      %dma_start3A = arith.constant 0 : i32
      %dma_start3A_81 = arith.constant 0 : i32
      %dma_start3A_82 = tpu.memref_slice %arg9[%dma_start3A, %dma_start3A_81] : memref<56x128xf32, #tpu.memory_space<vmem>> -> memref<56x128xf32, #tpu.memory_space<vmem>>
      %dma_start3A_83 = arith.constant 0 : i32
      %dma_start3A_84 = tpu.memref_slice %arg6[%arg0, %add3A_68, %dma_start3A_83] : memref<2x10112x128xf32, #tpu.memory_space<hbm>> -> memref<1x56x128xf32, #tpu.memory_space<hbm>>
      %dma_start3A_85 = tpu.memref_squeeze %dma_start3A_84 : memref<1x56x128xf32, #tpu.memory_space<hbm>> -> memref<56x128xf32, #tpu.memory_space<hbm>>
      %dma_start3A_86 = arith.constant 0 : i32
      %dma_start3A_87 = tpu.memref_slice %arg6[%arg0, %add3A_68, %dma_start3A_86] : memref<2x10112x128xf32, #tpu.memory_space<hbm>> -> memref<1x56x128xf32, #tpu.memory_space<hbm>>
      %dma_start3A_88 = tpu.memref_squeeze %dma_start3A_87 : memref<1x56x128xf32, #tpu.memory_space<hbm>> -> memref<56x128xf32, #tpu.memory_space<hbm>>
      %dma_start3A_89 = arith.constant 0 : i32
      %dma_start3A_90 = arith.constant 0 : i32
      %dma_start3A_91 = tpu.memref_slice %arg9[%dma_start3A_89, %dma_start3A_90] : memref<56x128xf32, #tpu.memory_space<vmem>> -> memref<56x128xf32, #tpu.memory_space<vmem>>
      tpu.enqueue_dma source(%dma_start3A_91 : memref<56x128xf32, #tpu.memory_space<vmem>>) target(%dma_start3A_88 : memref<56x128xf32, #tpu.memory_space<hbm>>) target_semaphore(%run_scoped3A : memref<!tpu.dma_semaphore, #tpu.memory_space<semaphore_mem>>)
      %dma_wait3A = arith.constant 0 : i32
      %dma_wait3A_92 = arith.constant 0 : i32
      %dma_wait3A_93 = tpu.memref_slice %arg9[%dma_wait3A, %dma_wait3A_92] : memref<56x128xf32, #tpu.memory_space<vmem>> -> memref<56x128xf32, #tpu.memory_space<vmem>>
      %dma_wait3A_94 = arith.constant 0 : i32
      %dma_wait3A_95 = tpu.memref_slice %arg6[%arg0, %add3A_68, %dma_wait3A_94] : memref<2x10112x128xf32, #tpu.memory_space<hbm>> -> memref<1x56x128xf32, #tpu.memory_space<hbm>>
      %dma_wait3A_96 = tpu.memref_squeeze %dma_wait3A_95 : memref<1x56x128xf32, #tpu.memory_space<hbm>> -> memref<56x128xf32, #tpu.memory_space<hbm>>
      %dma_wait3A_97 = arith.constant 0 : i32
      %dma_wait3A_98 = tpu.memref_slice %arg6[%arg0, %add3A_68, %dma_wait3A_97] : memref<2x10112x128xf32, #tpu.memory_space<hbm>> -> memref<1x56x128xf32, #tpu.memory_space<hbm>>
      %dma_wait3A_99 = tpu.memref_squeeze %dma_wait3A_98 : memref<1x56x128xf32, #tpu.memory_space<hbm>> -> memref<56x128xf32, #tpu.memory_space<hbm>>
      %dma_wait3A_100 = arith.constant 0 : i32
      %dma_wait3A_101 = arith.constant 0 : i32
      %dma_wait3A_102 = tpu.memref_slice %arg9[%dma_wait3A_100, %dma_wait3A_101] : memref<56x128xf32, #tpu.memory_space<vmem>> -> memref<56x128xf32, #tpu.memory_space<vmem>>
      tpu.wait_dma2 semaphore(%run_scoped3A : memref<!tpu.dma_semaphore, #tpu.memory_space<semaphore_mem>>) src(%dma_wait3A_102 : memref<56x128xf32, #tpu.memory_space<vmem>>) dst(%dma_wait3A_99 : memref<56x128xf32, #tpu.memory_space<hbm>>)
      tpu.yield
    }) : () -> ()
    %add3A_69 = arith.constant 504 : i32
    %add3A_70 = arith.addi %mul3A_2, %add3A_69 : i32
    "tpu.region"() ({
      %run_scoped3A = tpu.sem_alloc : memref<!tpu.dma_semaphore, #tpu.memory_space<semaphore_mem>>
      %dma_start3A = arith.constant 0 : i32
      %dma_start3A_81 = arith.constant 0 : i32
      %dma_start3A_82 = tpu.memref_slice %arg9[%dma_start3A, %dma_start3A_81] : memref<56x128xf32, #tpu.memory_space<vmem>> -> memref<56x128xf32, #tpu.memory_space<vmem>>
      %dma_start3A_83 = arith.constant 0 : i32
      %dma_start3A_84 = tpu.memref_slice %arg17[%add3A_70, %dma_start3A_83] : memref<10112x128xf32, #tpu.memory_space<vmem_shared>> -> memref<56x128xf32, #tpu.memory_space<vmem_shared>>
      %dma_start3A_85 = arith.constant 0 : i32
      %dma_start3A_86 = arith.constant 0 : i32
      %dma_start3A_87 = tpu.memref_slice %arg9[%dma_start3A_85, %dma_start3A_86] : memref<56x128xf32, #tpu.memory_space<vmem>> -> memref<56x128xf32, #tpu.memory_space<vmem>>
      %dma_start3A_88 = arith.constant 0 : i32
      %dma_start3A_89 = tpu.memref_slice %arg17[%add3A_70, %dma_start3A_88] : memref<10112x128xf32, #tpu.memory_space<vmem_shared>> -> memref<56x128xf32, #tpu.memory_space<vmem_shared>>
      tpu.enqueue_dma source(%dma_start3A_89 : memref<56x128xf32, #tpu.memory_space<vmem_shared>>) target(%dma_start3A_87 : memref<56x128xf32, #tpu.memory_space<vmem>>) target_semaphore(%run_scoped3A : memref<!tpu.dma_semaphore, #tpu.memory_space<semaphore_mem>>)
      %dma_wait3A = arith.constant 0 : i32
      %dma_wait3A_90 = arith.constant 0 : i32
      %dma_wait3A_91 = tpu.memref_slice %arg9[%dma_wait3A, %dma_wait3A_90] : memref<56x128xf32, #tpu.memory_space<vmem>> -> memref<56x128xf32, #tpu.memory_space<vmem>>
      %dma_wait3A_92 = arith.constant 0 : i32
      %dma_wait3A_93 = tpu.memref_slice %arg17[%add3A_70, %dma_wait3A_92] : memref<10112x128xf32, #tpu.memory_space<vmem_shared>> -> memref<56x128xf32, #tpu.memory_space<vmem_shared>>
      %dma_wait3A_94 = arith.constant 0 : i32
      %dma_wait3A_95 = arith.constant 0 : i32
      %dma_wait3A_96 = tpu.memref_slice %arg9[%dma_wait3A_94, %dma_wait3A_95] : memref<56x128xf32, #tpu.memory_space<vmem>> -> memref<56x128xf32, #tpu.memory_space<vmem>>
      %dma_wait3A_97 = arith.constant 0 : i32
      %dma_wait3A_98 = tpu.memref_slice %arg17[%add3A_70, %dma_wait3A_97] : memref<10112x128xf32, #tpu.memory_space<vmem_shared>> -> memref<56x128xf32, #tpu.memory_space<vmem_shared>>
      tpu.wait_dma2 semaphore(%run_scoped3A : memref<!tpu.dma_semaphore, #tpu.memory_space<semaphore_mem>>) src(%dma_wait3A_98 : memref<56x128xf32, #tpu.memory_space<vmem_shared>>) dst(%dma_wait3A_96 : memref<56x128xf32, #tpu.memory_space<vmem>>)
      tpu.yield
    }) : () -> ()
    %add3A_71 = arith.constant 504 : i32
    %add3A_72 = arith.addi %mul3A_2, %add3A_71 : i32
    "tpu.region"() ({
      %run_scoped3A = tpu.sem_alloc : memref<!tpu.dma_semaphore, #tpu.memory_space<semaphore_mem>>
      %dma_start3A = arith.constant 0 : i32
      %dma_start3A_81 = arith.constant 0 : i32
      %dma_start3A_82 = tpu.memref_slice %arg9[%dma_start3A, %dma_start3A_81] : memref<56x128xf32, #tpu.memory_space<vmem>> -> memref<56x128xf32, #tpu.memory_space<vmem>>
      %dma_start3A_83 = arith.constant 0 : i32
      %dma_start3A_84 = tpu.memref_slice %arg6[%arg0, %add3A_72, %dma_start3A_83] : memref<2x10112x128xf32, #tpu.memory_space<hbm>> -> memref<1x56x128xf32, #tpu.memory_space<hbm>>
      %dma_start3A_85 = tpu.memref_squeeze %dma_start3A_84 : memref<1x56x128xf32, #tpu.memory_space<hbm>> -> memref<56x128xf32, #tpu.memory_space<hbm>>
      %dma_start3A_86 = arith.constant 0 : i32
      %dma_start3A_87 = tpu.memref_slice %arg6[%arg0, %add3A_72, %dma_start3A_86] : memref<2x10112x128xf32, #tpu.memory_space<hbm>> -> memref<1x56x128xf32, #tpu.memory_space<hbm>>
      %dma_start3A_88 = tpu.memref_squeeze %dma_start3A_87 : memref<1x56x128xf32, #tpu.memory_space<hbm>> -> memref<56x128xf32, #tpu.memory_space<hbm>>
      %dma_start3A_89 = arith.constant 0 : i32
      %dma_start3A_90 = arith.constant 0 : i32
      %dma_start3A_91 = tpu.memref_slice %arg9[%dma_start3A_89, %dma_start3A_90] : memref<56x128xf32, #tpu.memory_space<vmem>> -> memref<56x128xf32, #tpu.memory_space<vmem>>
      tpu.enqueue_dma source(%dma_start3A_91 : memref<56x128xf32, #tpu.memory_space<vmem>>) target(%dma_start3A_88 : memref<56x128xf32, #tpu.memory_space<hbm>>) target_semaphore(%run_scoped3A : memref<!tpu.dma_semaphore, #tpu.memory_space<semaphore_mem>>)
      %dma_wait3A = arith.constant 0 : i32
      %dma_wait3A_92 = arith.constant 0 : i32
      %dma_wait3A_93 = tpu.memref_slice %arg9[%dma_wait3A, %dma_wait3A_92] : memref<56x128xf32, #tpu.memory_space<vmem>> -> memref<56x128xf32, #tpu.memory_space<vmem>>
      %dma_wait3A_94 = arith.constant 0 : i32
      %dma_wait3A_95 = tpu.memref_slice %arg6[%arg0, %add3A_72, %dma_wait3A_94] : memref<2x10112x128xf32, #tpu.memory_space<hbm>> -> memref<1x56x128xf32, #tpu.memory_space<hbm>>
      %dma_wait3A_96 = tpu.memref_squeeze %dma_wait3A_95 : memref<1x56x128xf32, #tpu.memory_space<hbm>> -> memref<56x128xf32, #tpu.memory_space<hbm>>
      %dma_wait3A_97 = arith.constant 0 : i32
      %dma_wait3A_98 = tpu.memref_slice %arg6[%arg0, %add3A_72, %dma_wait3A_97] : memref<2x10112x128xf32, #tpu.memory_space<hbm>> -> memref<1x56x128xf32, #tpu.memory_space<hbm>>
      %dma_wait3A_99 = tpu.memref_squeeze %dma_wait3A_98 : memref<1x56x128xf32, #tpu.memory_space<hbm>> -> memref<56x128xf32, #tpu.memory_space<hbm>>
      %dma_wait3A_100 = arith.constant 0 : i32
      %dma_wait3A_101 = arith.constant 0 : i32
      %dma_wait3A_102 = tpu.memref_slice %arg9[%dma_wait3A_100, %dma_wait3A_101] : memref<56x128xf32, #tpu.memory_space<vmem>> -> memref<56x128xf32, #tpu.memory_space<vmem>>
      tpu.wait_dma2 semaphore(%run_scoped3A : memref<!tpu.dma_semaphore, #tpu.memory_space<semaphore_mem>>) src(%dma_wait3A_102 : memref<56x128xf32, #tpu.memory_space<vmem>>) dst(%dma_wait3A_99 : memref<56x128xf32, #tpu.memory_space<hbm>>)
      tpu.yield
    }) : () -> ()
    %add3A_73 = arith.constant 560 : i32
    %add3A_74 = arith.addi %mul3A_2, %add3A_73 : i32
    "tpu.region"() ({
      %run_scoped3A = tpu.sem_alloc : memref<!tpu.dma_semaphore, #tpu.memory_space<semaphore_mem>>
      %dma_start3A = arith.constant 0 : i32
      %dma_start3A_81 = arith.constant 0 : i32
      %dma_start3A_82 = tpu.memref_slice %arg9[%dma_start3A, %dma_start3A_81] : memref<56x128xf32, #tpu.memory_space<vmem>> -> memref<56x128xf32, #tpu.memory_space<vmem>>
      %dma_start3A_83 = arith.constant 0 : i32
      %dma_start3A_84 = tpu.memref_slice %arg17[%add3A_74, %dma_start3A_83] : memref<10112x128xf32, #tpu.memory_space<vmem_shared>> -> memref<56x128xf32, #tpu.memory_space<vmem_shared>>
      %dma_start3A_85 = arith.constant 0 : i32
      %dma_start3A_86 = arith.constant 0 : i32
      %dma_start3A_87 = tpu.memref_slice %arg9[%dma_start3A_85, %dma_start3A_86] : memref<56x128xf32, #tpu.memory_space<vmem>> -> memref<56x128xf32, #tpu.memory_space<vmem>>
      %dma_start3A_88 = arith.constant 0 : i32
      %dma_start3A_89 = tpu.memref_slice %arg17[%add3A_74, %dma_start3A_88] : memref<10112x128xf32, #tpu.memory_space<vmem_shared>> -> memref<56x128xf32, #tpu.memory_space<vmem_shared>>
      tpu.enqueue_dma source(%dma_start3A_89 : memref<56x128xf32, #tpu.memory_space<vmem_shared>>) target(%dma_start3A_87 : memref<56x128xf32, #tpu.memory_space<vmem>>) target_semaphore(%run_scoped3A : memref<!tpu.dma_semaphore, #tpu.memory_space<semaphore_mem>>)
      %dma_wait3A = arith.constant 0 : i32
      %dma_wait3A_90 = arith.constant 0 : i32
      %dma_wait3A_91 = tpu.memref_slice %arg9[%dma_wait3A, %dma_wait3A_90] : memref<56x128xf32, #tpu.memory_space<vmem>> -> memref<56x128xf32, #tpu.memory_space<vmem>>
      %dma_wait3A_92 = arith.constant 0 : i32
      %dma_wait3A_93 = tpu.memref_slice %arg17[%add3A_74, %dma_wait3A_92] : memref<10112x128xf32, #tpu.memory_space<vmem_shared>> -> memref<56x128xf32, #tpu.memory_space<vmem_shared>>
      %dma_wait3A_94 = arith.constant 0 : i32
      %dma_wait3A_95 = arith.constant 0 : i32
      %dma_wait3A_96 = tpu.memref_slice %arg9[%dma_wait3A_94, %dma_wait3A_95] : memref<56x128xf32, #tpu.memory_space<vmem>> -> memref<56x128xf32, #tpu.memory_space<vmem>>
      %dma_wait3A_97 = arith.constant 0 : i32
      %dma_wait3A_98 = tpu.memref_slice %arg17[%add3A_74, %dma_wait3A_97] : memref<10112x128xf32, #tpu.memory_space<vmem_shared>> -> memref<56x128xf32, #tpu.memory_space<vmem_shared>>
      tpu.wait_dma2 semaphore(%run_scoped3A : memref<!tpu.dma_semaphore, #tpu.memory_space<semaphore_mem>>) src(%dma_wait3A_98 : memref<56x128xf32, #tpu.memory_space<vmem_shared>>) dst(%dma_wait3A_96 : memref<56x128xf32, #tpu.memory_space<vmem>>)
      tpu.yield
    }) : () -> ()
    %add3A_75 = arith.constant 560 : i32
    %add3A_76 = arith.addi %mul3A_2, %add3A_75 : i32
    "tpu.region"() ({
      %run_scoped3A = tpu.sem_alloc : memref<!tpu.dma_semaphore, #tpu.memory_space<semaphore_mem>>
      %dma_start3A = arith.constant 0 : i32
      %dma_start3A_81 = arith.constant 0 : i32
      %dma_start3A_82 = tpu.memref_slice %arg9[%dma_start3A, %dma_start3A_81] : memref<56x128xf32, #tpu.memory_space<vmem>> -> memref<56x128xf32, #tpu.memory_space<vmem>>
      %dma_start3A_83 = arith.constant 0 : i32
      %dma_start3A_84 = tpu.memref_slice %arg6[%arg0, %add3A_76, %dma_start3A_83] : memref<2x10112x128xf32, #tpu.memory_space<hbm>> -> memref<1x56x128xf32, #tpu.memory_space<hbm>>
      %dma_start3A_85 = tpu.memref_squeeze %dma_start3A_84 : memref<1x56x128xf32, #tpu.memory_space<hbm>> -> memref<56x128xf32, #tpu.memory_space<hbm>>
      %dma_start3A_86 = arith.constant 0 : i32
      %dma_start3A_87 = tpu.memref_slice %arg6[%arg0, %add3A_76, %dma_start3A_86] : memref<2x10112x128xf32, #tpu.memory_space<hbm>> -> memref<1x56x128xf32, #tpu.memory_space<hbm>>
      %dma_start3A_88 = tpu.memref_squeeze %dma_start3A_87 : memref<1x56x128xf32, #tpu.memory_space<hbm>> -> memref<56x128xf32, #tpu.memory_space<hbm>>
      %dma_start3A_89 = arith.constant 0 : i32
      %dma_start3A_90 = arith.constant 0 : i32
      %dma_start3A_91 = tpu.memref_slice %arg9[%dma_start3A_89, %dma_start3A_90] : memref<56x128xf32, #tpu.memory_space<vmem>> -> memref<56x128xf32, #tpu.memory_space<vmem>>
      tpu.enqueue_dma source(%dma_start3A_91 : memref<56x128xf32, #tpu.memory_space<vmem>>) target(%dma_start3A_88 : memref<56x128xf32, #tpu.memory_space<hbm>>) target_semaphore(%run_scoped3A : memref<!tpu.dma_semaphore, #tpu.memory_space<semaphore_mem>>)
      %dma_wait3A = arith.constant 0 : i32
      %dma_wait3A_92 = arith.constant 0 : i32
      %dma_wait3A_93 = tpu.memref_slice %arg9[%dma_wait3A, %dma_wait3A_92] : memref<56x128xf32, #tpu.memory_space<vmem>> -> memref<56x128xf32, #tpu.memory_space<vmem>>
      %dma_wait3A_94 = arith.constant 0 : i32
      %dma_wait3A_95 = tpu.memref_slice %arg6[%arg0, %add3A_76, %dma_wait3A_94] : memref<2x10112x128xf32, #tpu.memory_space<hbm>> -> memref<1x56x128xf32, #tpu.memory_space<hbm>>
      %dma_wait3A_96 = tpu.memref_squeeze %dma_wait3A_95 : memref<1x56x128xf32, #tpu.memory_space<hbm>> -> memref<56x128xf32, #tpu.memory_space<hbm>>
      %dma_wait3A_97 = arith.constant 0 : i32
      %dma_wait3A_98 = tpu.memref_slice %arg6[%arg0, %add3A_76, %dma_wait3A_97] : memref<2x10112x128xf32, #tpu.memory_space<hbm>> -> memref<1x56x128xf32, #tpu.memory_space<hbm>>
      %dma_wait3A_99 = tpu.memref_squeeze %dma_wait3A_98 : memref<1x56x128xf32, #tpu.memory_space<hbm>> -> memref<56x128xf32, #tpu.memory_space<hbm>>
      %dma_wait3A_100 = arith.constant 0 : i32
      %dma_wait3A_101 = arith.constant 0 : i32
      %dma_wait3A_102 = tpu.memref_slice %arg9[%dma_wait3A_100, %dma_wait3A_101] : memref<56x128xf32, #tpu.memory_space<vmem>> -> memref<56x128xf32, #tpu.memory_space<vmem>>
      tpu.wait_dma2 semaphore(%run_scoped3A : memref<!tpu.dma_semaphore, #tpu.memory_space<semaphore_mem>>) src(%dma_wait3A_102 : memref<56x128xf32, #tpu.memory_space<vmem>>) dst(%dma_wait3A_99 : memref<56x128xf32, #tpu.memory_space<hbm>>)
      tpu.yield
    }) : () -> ()
    %add3A_77 = arith.constant 616 : i32
    %add3A_78 = arith.addi %mul3A_2, %add3A_77 : i32
    "tpu.region"() ({
      %run_scoped3A = tpu.sem_alloc : memref<!tpu.dma_semaphore, #tpu.memory_space<semaphore_mem>>
      %dma_start3A = arith.constant 0 : i32
      %dma_start3A_81 = arith.constant 0 : i32
      %dma_start3A_82 = tpu.memref_slice %arg9[%dma_start3A, %dma_start3A_81] : memref<56x128xf32, #tpu.memory_space<vmem>> -> memref<16x128xf32, #tpu.memory_space<vmem>>
      %dma_start3A_83 = arith.constant 0 : i32
      %dma_start3A_84 = tpu.memref_slice %arg17[%add3A_78, %dma_start3A_83] : memref<10112x128xf32, #tpu.memory_space<vmem_shared>> -> memref<16x128xf32, #tpu.memory_space<vmem_shared>>
      %dma_start3A_85 = arith.constant 0 : i32
      %dma_start3A_86 = arith.constant 0 : i32
      %dma_start3A_87 = tpu.memref_slice %arg9[%dma_start3A_85, %dma_start3A_86] : memref<56x128xf32, #tpu.memory_space<vmem>> -> memref<16x128xf32, #tpu.memory_space<vmem>>
      %dma_start3A_88 = arith.constant 0 : i32
      %dma_start3A_89 = tpu.memref_slice %arg17[%add3A_78, %dma_start3A_88] : memref<10112x128xf32, #tpu.memory_space<vmem_shared>> -> memref<16x128xf32, #tpu.memory_space<vmem_shared>>
      tpu.enqueue_dma source(%dma_start3A_89 : memref<16x128xf32, #tpu.memory_space<vmem_shared>>) target(%dma_start3A_87 : memref<16x128xf32, #tpu.memory_space<vmem>>) target_semaphore(%run_scoped3A : memref<!tpu.dma_semaphore, #tpu.memory_space<semaphore_mem>>)
      %dma_wait3A = arith.constant 0 : i32
      %dma_wait3A_90 = arith.constant 0 : i32
      %dma_wait3A_91 = tpu.memref_slice %arg9[%dma_wait3A, %dma_wait3A_90] : memref<56x128xf32, #tpu.memory_space<vmem>> -> memref<16x128xf32, #tpu.memory_space<vmem>>
      %dma_wait3A_92 = arith.constant 0 : i32
      %dma_wait3A_93 = tpu.memref_slice %arg17[%add3A_78, %dma_wait3A_92] : memref<10112x128xf32, #tpu.memory_space<vmem_shared>> -> memref<16x128xf32, #tpu.memory_space<vmem_shared>>
      %dma_wait3A_94 = arith.constant 0 : i32
      %dma_wait3A_95 = arith.constant 0 : i32
      %dma_wait3A_96 = tpu.memref_slice %arg9[%dma_wait3A_94, %dma_wait3A_95] : memref<56x128xf32, #tpu.memory_space<vmem>> -> memref<16x128xf32, #tpu.memory_space<vmem>>
      %dma_wait3A_97 = arith.constant 0 : i32
      %dma_wait3A_98 = tpu.memref_slice %arg17[%add3A_78, %dma_wait3A_97] : memref<10112x128xf32, #tpu.memory_space<vmem_shared>> -> memref<16x128xf32, #tpu.memory_space<vmem_shared>>
      tpu.wait_dma2 semaphore(%run_scoped3A : memref<!tpu.dma_semaphore, #tpu.memory_space<semaphore_mem>>) src(%dma_wait3A_98 : memref<16x128xf32, #tpu.memory_space<vmem_shared>>) dst(%dma_wait3A_96 : memref<16x128xf32, #tpu.memory_space<vmem>>)
      tpu.yield
    }) : () -> ()
    %add3A_79 = arith.constant 616 : i32
    %add3A_80 = arith.addi %mul3A_2, %add3A_79 : i32
    "tpu.region"() ({
      %run_scoped3A = tpu.sem_alloc : memref<!tpu.dma_semaphore, #tpu.memory_space<semaphore_mem>>
      %dma_start3A = arith.constant 0 : i32
      %dma_start3A_81 = arith.constant 0 : i32
      %dma_start3A_82 = tpu.memref_slice %arg9[%dma_start3A, %dma_start3A_81] : memref<56x128xf32, #tpu.memory_space<vmem>> -> memref<16x128xf32, #tpu.memory_space<vmem>>
      %dma_start3A_83 = arith.constant 0 : i32
      %dma_start3A_84 = tpu.memref_slice %arg6[%arg0, %add3A_80, %dma_start3A_83] : memref<2x10112x128xf32, #tpu.memory_space<hbm>> -> memref<1x16x128xf32, #tpu.memory_space<hbm>>
      %dma_start3A_85 = tpu.memref_squeeze %dma_start3A_84 : memref<1x16x128xf32, #tpu.memory_space<hbm>> -> memref<16x128xf32, #tpu.memory_space<hbm>>
      %dma_start3A_86 = arith.constant 0 : i32
      %dma_start3A_87 = tpu.memref_slice %arg6[%arg0, %add3A_80, %dma_start3A_86] : memref<2x10112x128xf32, #tpu.memory_space<hbm>> -> memref<1x16x128xf32, #tpu.memory_space<hbm>>
      %dma_start3A_88 = tpu.memref_squeeze %dma_start3A_87 : memref<1x16x128xf32, #tpu.memory_space<hbm>> -> memref<16x128xf32, #tpu.memory_space<hbm>>
      %dma_start3A_89 = arith.constant 0 : i32
      %dma_start3A_90 = arith.constant 0 : i32
      %dma_start3A_91 = tpu.memref_slice %arg9[%dma_start3A_89, %dma_start3A_90] : memref<56x128xf32, #tpu.memory_space<vmem>> -> memref<16x128xf32, #tpu.memory_space<vmem>>
      tpu.enqueue_dma source(%dma_start3A_91 : memref<16x128xf32, #tpu.memory_space<vmem>>) target(%dma_start3A_88 : memref<16x128xf32, #tpu.memory_space<hbm>>) target_semaphore(%run_scoped3A : memref<!tpu.dma_semaphore, #tpu.memory_space<semaphore_mem>>)
      %dma_wait3A = arith.constant 0 : i32
      %dma_wait3A_92 = arith.constant 0 : i32
      %dma_wait3A_93 = tpu.memref_slice %arg9[%dma_wait3A, %dma_wait3A_92] : memref<56x128xf32, #tpu.memory_space<vmem>> -> memref<16x128xf32, #tpu.memory_space<vmem>>
      %dma_wait3A_94 = arith.constant 0 : i32
      %dma_wait3A_95 = tpu.memref_slice %arg6[%arg0, %add3A_80, %dma_wait3A_94] : memref<2x10112x128xf32, #tpu.memory_space<hbm>> -> memref<1x16x128xf32, #tpu.memory_space<hbm>>
      %dma_wait3A_96 = tpu.memref_squeeze %dma_wait3A_95 : memref<1x16x128xf32, #tpu.memory_space<hbm>> -> memref<16x128xf32, #tpu.memory_space<hbm>>
      %dma_wait3A_97 = arith.constant 0 : i32
      %dma_wait3A_98 = tpu.memref_slice %arg6[%arg0, %add3A_80, %dma_wait3A_97] : memref<2x10112x128xf32, #tpu.memory_space<hbm>> -> memref<1x16x128xf32, #tpu.memory_space<hbm>>
      %dma_wait3A_99 = tpu.memref_squeeze %dma_wait3A_98 : memref<1x16x128xf32, #tpu.memory_space<hbm>> -> memref<16x128xf32, #tpu.memory_space<hbm>>
      %dma_wait3A_100 = arith.constant 0 : i32
      %dma_wait3A_101 = arith.constant 0 : i32
      %dma_wait3A_102 = tpu.memref_slice %arg9[%dma_wait3A_100, %dma_wait3A_101] : memref<56x128xf32, #tpu.memory_space<vmem>> -> memref<16x128xf32, #tpu.memory_space<vmem>>
      tpu.wait_dma2 semaphore(%run_scoped3A : memref<!tpu.dma_semaphore, #tpu.memory_space<semaphore_mem>>) src(%dma_wait3A_102 : memref<16x128xf32, #tpu.memory_space<vmem>>) dst(%dma_wait3A_99 : memref<16x128xf32, #tpu.memory_space<hbm>>)
      tpu.yield
    }) : () -> ()
    return
  }
}

module attributes {stable_mosaic.version = 14 : i64} {
  func.func @_tc_pre_body(%arg0: i32, %arg1: memref<1024x128xf32, #tpu.memory_space<vmem>>, %arg2: memref<128x128xf32, #tpu.memory_space<vmem>>, %arg3: memref<1x128xf32, #tpu.memory_space<vmem>>, %arg4: memref<1024x128xf32, #tpu.memory_space<vmem>>) attributes {dimension_semantics = [#tpu.dimension_semantics<arbitrary>], iteration_bounds = array<i64: 10>, scalar_prefetch = 0 : i64, scratch_operands = 0 : i64, tpu.core_type = #tpu.core_type<tc>, window_params = [{transform_indices = @transform_0, window_bounds = array<i64: 1024, 128>}, {pipeline_mode = #tpu.pipeline_mode<synchronous>, transform_indices = @transform_1, window_bounds = array<i64: 128, 128>}, {pipeline_mode = #tpu.pipeline_mode<synchronous>, transform_indices = @transform_2, window_bounds = array<i64: 1, 128>}, {transform_indices = @transform_3, window_bounds = array<i64: 1024, 128>}]} {
    %get3A = arith.constant 0 : index
    %get3A_0 = arith.constant 0 : index
    %get3A_1 = vector.load %arg1[%get3A, %get3A_0] : memref<1024x128xf32, #tpu.memory_space<vmem>>, vector<1024x128xf32>
    %get3A_2 = arith.constant 0 : index
    %get3A_3 = arith.constant 0 : index
    %get3A_4 = vector.load %arg2[%get3A_2, %get3A_3] : memref<128x128xf32, #tpu.memory_space<vmem>>, vector<128x128xf32>
    %dot_general3A = arith.constant dense<0.000000e+00> : vector<1024x128xf32>
    %dot_general3A_5 = tpu.matmul %get3A_1, %get3A_4, %dot_general3A {dimension_numbers = #tpu.dot_dimension_numbers<[1], [1], [0], [0], [0, 0, 1, 0], [], []>, transpose_lhs_hint = false} : vector<1024x128xf32>, vector<128x128xf32>, vector<1024x128xf32> -> vector<1024x128xf32>
    %get3A_6 = arith.constant 0 : index
    %get3A_7 = arith.constant 0 : index
    %get3A_8 = vector.load %arg3[%get3A_6, %get3A_7] : memref<1x128xf32, #tpu.memory_space<vmem>>, vector<1x128xf32>
    %add3A = vector.broadcast %get3A_8 : vector<1x128xf32> to vector<1024x128xf32>
    %add3A_9 = arith.addf %dot_general3A_5, %add3A : vector<1024x128xf32>
    %swap3A = arith.constant 0 : index
    %swap3A_10 = arith.constant 0 : index
    %swap3A_11 = vector.load %arg4[%swap3A, %swap3A_10] : memref<1024x128xf32, #tpu.memory_space<vmem>>, vector<1024x128xf32>
    tpu.vector_store %arg4[%swap3A, %swap3A_10], %add3A_9 {strides = array<i32>} : memref<1024x128xf32, #tpu.memory_space<vmem>>, vector<1024x128xf32>,
    return
  }
  func.func @transform_0(%arg0: i32) -> (i32, i32) {
    %c0_i32 = arith.constant 0 : i32
    %c0_i32_0 = arith.constant 0 : i32
    return %arg0, %c0_i32 : i32, i32
  }
  func.func @transform_1(%arg0: i32) -> (i32, i32) {
    %c0_i32 = arith.constant 0 : i32
    %c0_i32_0 = arith.constant 0 : i32
    %c0_i32_1 = arith.constant 0 : i32
    return %c0_i32, %c0_i32_0 : i32, i32
  }
  func.func @transform_2(%arg0: i32) -> (i32, i32) {
    %c0_i32 = arith.constant 0 : i32
    %c0_i32_0 = arith.constant 0 : i32
    %c0_i32_1 = arith.constant 0 : i32
    return %c0_i32, %c0_i32_0 : i32, i32
  }
  func.func @transform_3(%arg0: i32) -> (i32, i32) {
    %c0_i32 = arith.constant 0 : i32
    %c0_i32_0 = arith.constant 0 : i32
    return %arg0, %c0_i32 : i32, i32
  }
}

module attributes {stable_mosaic.version = 14 : i64} {
  func.func @_tc_post_body(%arg0: i32, %arg1: memref<2x1024x128xf32, #tpu.memory_space<vmem>>, %arg2: memref<1024x128xf32, #tpu.memory_space<vmem>>, %arg3: memref<128x128xf32, #tpu.memory_space<vmem>>, %arg4: memref<1024x128xf32, #tpu.memory_space<vmem>>, %arg5: memref<1024x128xf32, #tpu.memory_space<vmem>>) attributes {dimension_semantics = [#tpu.dimension_semantics<arbitrary>], iteration_bounds = array<i64: 10>, scalar_prefetch = 0 : i64, scratch_operands = 0 : i64, tpu.core_type = #tpu.core_type<tc>, window_params = [{transform_indices = @transform_0, window_bounds = array<i64: 2, 1024, 128>}, {transform_indices = @transform_1, window_bounds = array<i64: 1024, 128>}, {pipeline_mode = #tpu.pipeline_mode<synchronous>, transform_indices = @transform_2, window_bounds = array<i64: 128, 128>}, {transform_indices = @transform_3, window_bounds = array<i64: 1024, 128>}, {transform_indices = @transform_4, window_bounds = array<i64: 1024, 128>}]} {
    %get3A = arith.constant 0 : index
    %get3A_0 = arith.constant 0 : index
    %get3A_1 = arith.constant 0 : index
    %get3A_2 = vector.load %arg1[%get3A, %get3A_0, %get3A_1] : memref<2x1024x128xf32, #tpu.memory_space<vmem>>, vector<1x1024x128xf32>
    %get3A_3 = vector.shape_cast %get3A_2 : vector<1x1024x128xf32> to vector<1024x128xf32>
    %get3A_4 = arith.constant 1 : index
    %get3A_5 = arith.constant 0 : index
    %get3A_6 = arith.constant 0 : index
    %get3A_7 = vector.load %arg1[%get3A_4, %get3A_5, %get3A_6] : memref<2x1024x128xf32, #tpu.memory_space<vmem>>, vector<1x1024x128xf32>
    %get3A_8 = vector.shape_cast %get3A_7 : vector<1x1024x128xf32> to vector<1024x128xf32>
    %add3A = arith.addf %get3A_3, %get3A_8 : vector<1024x128xf32>
    %swap3A = arith.constant 0 : index
    %swap3A_9 = arith.constant 0 : index
    %swap3A_10 = vector.load %arg5[%swap3A, %swap3A_9] : memref<1024x128xf32, #tpu.memory_space<vmem>>, vector<1024x128xf32>
    tpu.vector_store %arg5[%swap3A, %swap3A_9], %add3A {strides = array<i32>} : memref<1024x128xf32, #tpu.memory_space<vmem>>, vector<1024x128xf32>,
    %get3A_11 = arith.constant 0 : index
    %get3A_12 = arith.constant 0 : index
    %get3A_13 = vector.load %arg2[%get3A_11, %get3A_12] : memref<1024x128xf32, #tpu.memory_space<vmem>>, vector<1024x128xf32>
    %get3A_14 = arith.constant 0 : index
    %get3A_15 = arith.constant 0 : index
    %get3A_16 = vector.load %arg3[%get3A_14, %get3A_15] : memref<128x128xf32, #tpu.memory_space<vmem>>, vector<128x128xf32>
    %dot_general3A = arith.constant dense<0.000000e+00> : vector<1024x128xf32>
    %dot_general3A_17 = tpu.matmul %get3A_13, %get3A_16, %dot_general3A {dimension_numbers = #tpu.dot_dimension_numbers<[1], [1], [0], [0], [0, 0, 1, 0], [], []>, transpose_lhs_hint = false} : vector<1024x128xf32>, vector<128x128xf32>, vector<1024x128xf32> -> vector<1024x128xf32>
    %add3A_18 = arith.addf %dot_general3A_17, %add3A : vector<1024x128xf32>
    %tanh3A = math.tanh %add3A_18 : vector<1024x128xf32>
    %swap3A_19 = arith.constant 0 : index
    %swap3A_20 = arith.constant 0 : index
    %swap3A_21 = vector.load %arg4[%swap3A_19, %swap3A_20] : memref<1024x128xf32, #tpu.memory_space<vmem>>, vector<1024x128xf32>
    tpu.vector_store %arg4[%swap3A_19, %swap3A_20], %tanh3A {strides = array<i32>} : memref<1024x128xf32, #tpu.memory_space<vmem>>, vector<1024x128xf32>,
    return
  }
  func.func @transform_0(%arg0: i32) -> (i32, i32, i32) {
    %c0_i32 = arith.constant 0 : i32
    %c0_i32_0 = arith.constant 0 : i32
    %c0_i32_1 = arith.constant 0 : i32
    return %c0_i32, %arg0, %c0_i32_0 : i32, i32, i32
  }
  func.func @transform_1(%arg0: i32) -> (i32, i32) {
    %c0_i32 = arith.constant 0 : i32
    %c0_i32_0 = arith.constant 0 : i32
    return %arg0, %c0_i32 : i32, i32
  }
  func.func @transform_2(%arg0: i32) -> (i32, i32) {
    %c0_i32 = arith.constant 0 : i32
    %c0_i32_0 = arith.constant 0 : i32
    %c0_i32_1 = arith.constant 0 : i32
    return %c0_i32, %c0_i32_0 : i32, i32
  }
  func.func @transform_3(%arg0: i32) -> (i32, i32) {
    %c0_i32 = arith.constant 0 : i32
    %c0_i32_0 = arith.constant 0 : i32
    return %arg0, %c0_i32 : i32, i32
  }
  func.func @transform_4(%arg0: i32) -> (i32, i32) {
    %c0_i32 = arith.constant 0 : i32
    %c0_i32_0 = arith.constant 0 : i32
    return %arg0, %c0_i32 : i32, i32
  }
}

</mosaic_0001>

<sc_bundles>
// kernel: kernel.5.cloned.1.call-start
scs
__scs_entry_jumppad:
0x0: {  	(pc) =	sbr.rel $0x88, $3  }
0x1: {  	(tag) =	ssettag $0x0;
	lr =	simm.s32 $0x1  }
0x2: {  	[smem:$0x3F9B] =	sst lr;
	_ =	strace $0xD0000000  }
0x3: {  	_ = 	snop  }
0x4: {  	_ = 	snop  }
0x5: {  	_ = 	snop  }
0x6: {  	_ = 	snop  }
0x7: {  	_ = 	snop  }
__scs_overlays_trampoline_lowered:
0x8: {  	[smem:$0x3FAA] =	sst s0  }
0x9: {  	[smem:$0x3FAB] =	sst s1  }
0xa: {  	[smem:$0x3FAC] =	sst s2  }
0xb: {  	[smem:$0x3FAD] =	sst s3  }
0xc: {  	[smem:$0x3FAE] =	sst s4  }
0xd: {  	[smem:$0x3FAF] =	sst s5  }
0xe: {  	[smem:$0x3FB0] =	sst s6  }
0xf: {  	[smem:$0x3FB1] =	sst s7  }
0x10: {  	[smem:$0x3FB2] =	sst s8  }
0x11: {  	[smem:$0x3FB3] =	sst s9;
	s0 =	simm.s32 @!p0 $0x0  }
0x12: {  	s1 =	sld [smem:$0x3F99];
	s0 =	simm.s32 @p0 $0x1  }
0x13: {  	[smem:$0x3FB4] =	sst s0;
	s0 =	simm.s32 @!p1 $0x0  }
0x14: {  	s2 =	sld [smem:$0x3F98];
	s0 =	simm.s32 @p1 $0x1  }
0x15: {  	[smem:$0x3FB5] =	sst s0;
	s0 =	simm.s32 @!p2 $0x0  }
0x16: {  	s3 =	sld [smem:$0x3FDB];
	s0 =	simm.s32 @p2 $0x1  }
0x17: {  	s4 =	simm.s32 $0x1BF5;
	[smem:$0x3FB7] =	sst s0  }
0x18: {  	s0 =	sld [smem:$0x3F9A];
	_ =	swait.ge [sflag:s4], $0x0  }
0x19: {  	s7 =	sld [smem:$0x3F9B]  }
0x1a: {  	s8 =	sadd.s32 $0xFFFFE003, lr  }
0x1b: {  	s9 =	sadd.s32 $0xFFFFFEF7, lr;
	s5 =	simm.s32 $0xFFFFFFFF;
	p2 =	slt.u32 s8, $0xFFFFF086  }
0x1c: {  	p1 =	slt.u32 s9, $0xF7A;
	s5 =	simm.s32 @!p2 $0x0  }
0x1d: {  	s5 =	simm.s32 @p1 $0x1;
	p0 =	seq.s32 s7, s2  }
0x1e: {  	s7 =	smul.u32 @!p0 $0xF7A, s2;
	p2 =	seq.s32 @!p0 s5, $0x0  }
0x1f: {  	s9 =	smul.u32 $0xF7A, s1;
	s8 =	simm.s32 @!p0 $0x1BF5;
	p2 =	por !p2, p0  }
0x20: {  	[sflag:s8] =	ssyncset.s32 @!p0 $0xFFFFF086;
	s6 =	sadd.s32 @!p0 s3, s7;
	s7 =	simm.s32 @!p0 $0x108  }
0x21: {  	s3 =	sadd.s32 s3, s9;
	s6 =	sadd.s32 @!p0 $0x88, s6;
	s7 =	simm.s32 @p2 $0x1082  }
0x22: {  	[simem:s7], [sflag:s8] =	dma.local @!p0 [hbm:s6], $0xF7A  }
0x23: {  	s9 =	sor.u32 $0xD0000000, s2;
	s6 =	simm.s32 $0x108;
	_ =	swait.ge @!p0 [sflag:s8], $0x0  }
0x24: {  	s3 =	sadd.s32 $0x88, s3;
	s6 =	simm.s32 @!p1 $0x1082;
	[sflag:s4] =	ssyncset.s32 $0xFFFFF086  }
0x25: {  	[simem:s6], [sflag:s4] =	dma.local [hbm:s3], $0xF7A  }
0x26: {  	[smem:$0x3F9B] =	sst s1;
	(tag) =	ssettag s2;
	_ =	strace s9  }
0x27: {  	s1 =	sld [smem:$0x3FAB]  }
0x28: {  	s2 =	sld [smem:$0x3FAC]  }
0x29: {  	s4 =	sld [smem:$0x3FAE]  }
0x2a: {  	p0 =	seq.s32 s5, $0x0;
	s5 =	sld [smem:$0x3FAF]  }
0x2b: {  	s6 =	sld [smem:$0x3FB0]  }
0x2c: {  	s7 =	sld [smem:$0x3FB1]  }
0x2d: {  	s3 =	simm.s32 $0x108;
	s8 =	sld [smem:$0x3FB2]  }
0x2e: {  	s3 =	simm.s32 @!p0 $0x1082;
	s9 =	sld [smem:$0x3FB3]  }
0x2f: {  	lr =	sadd.s32 s0, s3;
	s0 =	sld [smem:$0x3FAA]  }
0x30: {  	s3 =	sld [smem:$0x3FAD]  }
0x31: {  	[smem:$0x3FB6] =	sst s10  }
0x32: {  	s10 =	sld [smem:$0x3FB4];
	_ =	sdelay $0x3  }
0x33: {  	p0 =	seq.s32 s10, $0x1;
	s10 =	sld [smem:$0x3FB6];
	_ =	sdelay $0x3  }
0x34: {  	[smem:$0x3FB6] =	sst s10  }
0x35: {  	s10 =	sld [smem:$0x3FB5];
	_ =	sdelay $0x3  }
0x36: {  	p1 =	seq.s32 s10, $0x1;
	s10 =	sld [smem:$0x3FB6];
	_ =	sdelay $0x3  }
0x37: {  	[smem:$0x3FB6] =	sst s10  }
0x38: {  	s10 =	sld [smem:$0x3FB7]  }
0x39: {  	_ = 	snop;
	(pc) =	sbr.ind lr, $3  }
0x3a: {  	_ = 	snop  }
0x3b: {  	_ = 	snop  }
0x3c: {  	p2 =	seq.s32 s10, $0x1;
	s10 =	sld [smem:$0x3FB6]  }
0x3d: {  	_ =	shalt  }
0x3e: {  	_ =	shalt  }
0x3f: {  	_ =	shalt  }
0x40: {  	_ =	shalt  }
0x41: {  	_ =	shalt  }
0x42: {  	_ =	shalt  }
0x43: {  	_ =	shalt  }
0x44: {  	_ =	shalt  }
0x45: {  	_ =	shalt  }
0x46: {  	_ =	shalt  }
0x47: {  	_ =	shalt  }
0x48: {  	_ =	shalt  }
0x49: {  	_ =	shalt  }
0x4a: {  	_ =	shalt  }
0x4b: {  	_ =	shalt  }
0x4c: {  	_ =	shalt  }
0x4d: {  	_ =	shalt  }
0x4e: {  	_ =	shalt  }
0x4f: {  	_ =	shalt  }
0x50: {  	_ =	shalt  }
0x51: {  	_ =	shalt  }
0x52: {  	_ =	shalt  }
0x53: {  	_ =	shalt  }
0x54: {  	_ =	shalt  }
0x55: {  	_ =	shalt  }
0x56: {  	_ =	shalt  }
0x57: {  	_ =	shalt  }
0x58: {  	_ =	shalt  }
0x59: {  	_ =	shalt  }
0x5a: {  	_ =	shalt  }
0x5b: {  	_ =	shalt  }
0x5c: {  	_ =	shalt  }
0x5d: {  	_ =	shalt  }
0x5e: {  	_ =	shalt  }
0x5f: {  	_ =	shalt  }
0x60: {  	_ =	shalt  }
0x61: {  	_ =	shalt  }
0x62: {  	_ =	shalt  }
0x63: {  	_ =	shalt  }
0x64: {  	_ =	shalt  }
0x65: {  	_ =	shalt  }
0x66: {  	_ =	shalt  }
0x67: {  	_ =	shalt  }
0x68: {  	_ =	shalt  }
0x69: {  	_ =	shalt  }
0x6a: {  	_ =	shalt  }
0x6b: {  	_ =	shalt  }
0x6c: {  	_ =	shalt  }
0x6d: {  	_ =	shalt  }
0x6e: {  	_ =	shalt  }
0x6f: {  	_ =	shalt  }
0x70: {  	_ =	shalt  }
0x71: {  	_ =	shalt  }
0x72: {  	_ =	shalt  }
0x73: {  	_ =	shalt  }
0x74: {  	_ =	shalt  }
0x75: {  	_ =	shalt  }
0x76: {  	_ =	shalt  }
0x77: {  	_ =	shalt  }
0x78: {  	_ =	shalt  }
0x79: {  	_ =	shalt  }
0x7a: {  	_ =	shalt  }
0x7b: {  	_ =	shalt  }
0x7c: {  	_ =	shalt  }
0x7d: {  	_ =	shalt  }
0x7e: {  	_ =	shalt  }
0x7f: {  	_ =	shalt  }
0x80: {  	_ =	shalt  }
0x81: {  	_ =	shalt  }
0x82: {  	_ =	shalt  }
0x83: {  	_ =	shalt  }
0x84: {  	_ =	shalt  }
0x85: {  	_ =	shalt  }
0x86: {  	_ =	shalt  }
0x87: {  	_ =	shalt  }
.Lfunc_end0:
.L_simem_size_0:
called_computation_lowered:
.L_overlay_start_0:
0x88: {  	s2 =	sld [smem:$0x3FD9]  }
0x89: {  	s3 =	sld [smem:$0x3FFE];
	_ =	sdelay $0x1  }
0x8a: {  	s1 =	srdreg.scid  }
0x8b: {  	s0 =	sand.u32 $0x1, s1  }
0x8c: {  	s14 =	sshll.u32 s0, $0xA;
	s2 =	sadd.s32 s3, s2  }
0x8d: {  	s2 =	sadd.s32 s2, s14  }
0x8e: {  	[smem:$0x3FC2] =	sst s2  }
0x8f: {  	_ = 	snop  }
0x90: {  	s2 =	sld [smem:$0x3FD0];
	_ =	sdelay $0x2  }
0x91: {  	s15 =	simm.s32 $0xA;
	s4 =	simm.s32 $0x10  }
0x92: {  	[smem:s4], [sflag:s15] =	dma.local [hbm:s2], $0x1  }
0x93: {  	_ =	swait.eq [sflag:s15], $0x1  }
0x94: {  	[sflag:s15] =	ssyncset.done $0x0  }
0x95: {  	s16 =	sld [smem:$0x10];
	[sflag:s15] =	ssyncadd.s32 $0xFFFFFFFF  }
0x96: {  	s17 =	sld [smem:$0x11];
	(tm) =	ssettm $0x1  }
0x97: {  	s18 =	sld [smem:$0x3FFB];
	_ =	sdelay $0x3  }
0x98: {  	_ =	strace s18  }
0x99: {  	s4 =	sld [smem:$0x3FFC];
	_ =	sdelay $0x3  }
0x9a: {  	_ =	strace s4  }
0x9b: {  	s4 =	sld [smem:$0x3FFD];
	_ =	sdelay $0x3  }
0x9c: {  	_ =	strace s4  }
0x9d: {  	_ =	strace $0x8FFFFFFF  }
0x9e: {  	s19 =	sld [smem:$0x3FDB];
	_ =	sdelay $0x1  }
0x9f: {  	s5 =	simm.s32 $_scs_section_size  }
0xa0: {  	s6 =	simm.s32 $_size__tile_overlayer_lowered;
	s7 =	simm.s32 $_tile_overlayer_lowered  }
0xa1: {  	s22 =	simm.s32 $0x1BFF;
	s21 =	sshll.u32 s7, $0x1;
	s4 =	sadd.s32 s5, s19  }
0xa2: {  	s8 =	simm.s32 $0x0;
	s20 =	sshll.u32 s6, $0x1;
	s6 =	sadd.s32 s21, s4  }
0xa3: {  	[timem:s8], [sflag:s22] =	dma.local [hbm:s6], s20  }
0xa4: {  	_ =	swait.ge [sflag:s22], s20  }
0xa5: {  	s5 =	ssub.s32 $0x0, s20;
	[sflag:s22] =	ssyncset.done $0x0  }
0xa6: {  	[sflag:s22] =	ssyncadd.s32 s5;
	_ =	sdelay $0x1  }
0xa7: {  	s23 =	simm.s32 $0x1B8B  }
0xa8: {  	_ =	swait.ge [sflag:s23], $0x1  }
0xa9: {  	[sflag:s23] =	ssyncset.done $0x0  }
0xaa: {  	s25 =	simm.s32 $0x1B8E;
	s24 =	sld [smem:$0x3FFE];
	[sflag:s23] =	ssyncadd.s32 $0xFFFFFFFF  }
0xab: {  	s26 =	simm.s32 $execute0_lowered;
	[smem:$0x3FD2] =	sst s25  }
0xac: {  	s6 =	sshll.u32 s26, $0x1;
	_ =	strace $0x80000046;
	[dreg:$0x1] =	wrdreg $0xFFFFFFFF  }
0xad: {  	s28 =	simm.s32 $_size_execute0_lowered;
	s4 =	sadd.s32 s4, s6;
	[dreg:$0x0] =	wrdreg $0x0  }
0xae: {  	s6 =	sshll.u32 s28, $0x1;
	[dreg:$0x2] =	wrdreg s4  }
0xaf: {  	[dreg:$0x3] =	wrdreg s6  }
0xb0: {  	[dreg:$0x4] =	wrdreg $0xC0  }
0xb1: {  	_ =	task [dreg:s8], $0x5FFFF  }
0xb2: {  	[dreg:$0x1] =	wrdreg $0xFFFFFFFF  }
0xb3: {  	[dreg:$0x0] =	wrdreg $0x60  }
0xb4: {  	[dreg:$0x2] =	wrdreg s16  }
0xb5: {  	[dreg:$0x3] =	wrdreg s24  }
0xb6: {  	[dreg:$0x4] =	wrdreg s17  }
0xb7: {  	[dreg:$0x5] =	wrdreg $0x78000  }
0xb8: {  	[dreg:$0x6] =	wrdreg $0x9  }
0xb9: {  	_ =	task.clear_ibuf [dreg:s8], $0x7FFFF;
	_ =	strace $0x90000046  }
0xba: {  	s29 =	simm.s32 $0x9;
	_ =	strace $0x80000048  }
0xbb: {  	_ =	swait.ge [sflag:s29], $0x1  }
0xbc: {  	[sflag:s29] =	ssyncadd.s32 $0xFFFFFFFF  }
0xbd: {  	_ =	strace $0x90000048  }
0xbe: {  	_ =	sfence  }
0xbf: {  	s30 =	sld [smem:$0x0];
	_ =	sdelay $0x2  }
0xc0: {  	s31 =	sshll.u32 s1, $0xD;
	s1 =	sshrl.u32 s1, $0x2  }
0xc1: {  	s3 =	sand.u32 $0x4000, s31;
	s1 =	sadd.s32 s1, s30  }
0xc2: {  	s0 =	sor.u32 s3, s0;
	s1 =	sshll.u32 s1, $0x11  }
0xc3: {  	s0 =	sor.u32 s1, s0  }
0xc4: {  	s0 =	sadd.s32 $0x8F2B, s0  }
0xc5: {  	[sflag:s0] =	ssyncadd.remote.s32 $0x1  }
0xc6: {  	_ =	sfence.sel $0xFFFF  }
0xc7: {  	[dreg:$0x0] =	wrdreg $0xFFFFFFFF;
	(pc) =	sbr.abs _section_cstart, $3  }
0xc8: {  	[dreg:$0x1] =	wrdreg $0xFFFFFFFF  }
0xc9: {  	_ =	task.clear_ibuf [dreg:s8], $0x2FFFF;
	_ =	strace $0x9FFFFFFF  }
0xca: {  	(tm) =	ssettm $0x7FFFFFFF  }
0xcb: {  	_ =	shalt  }
tec
execute0_lowered:
.L_overlay_start_1:
0x0: {  	(tag) =	ssettag $0x1  }
0x1: {  	s5 =	rddreg [dreg:$0x0]  }
0x2: {  	s0 =	rddreg [dreg:$0x1]  }
0x3: {  	s2 =	rddreg [dreg:$0x2];
	s1 =	srdreg.scid  }
0x4: {  	s23 =	stileid.u32;
	s3 =	rddreg [dreg:$0x3];
	s4 =	simm.s32 $0x0  }
0x5: {  	s31 =	simm.s32 $0x500;
	s6 =	sand.u32 $0x1, s1;
	s22 =	smul.u32 $0xB800, s23  }
0x6: {  	[smem:$0x7FF] =	sst s4;
	s8 =	smul.u32 $0x13C00, s23;
	s10 =	sadd.s32 $0x18A00, s0  }
0x7: {  	s7 =	smul.u32 $0x5C00, s6;
	_ =	strace $0x80000047;
	s24 =	ssub.s32 $0x2, s6  }
0x8: {  	s6 =	smul.u32 $0x13C000, s6;
	s11 =	sshrl.u32 s24, $0x1;
	s12 =	sadd.s32 $0x3800, s8  }
0x9: {  	s13 =	sadd.s32 $0x5400, s8;
	s14 =	sadd.s32 $0x7000, s8;
	s15 =	sadd.s32 $0x8C00, s8  }
0xa: {  	s16 =	sadd.s32 $0xA800, s8;
	s17 =	sadd.s32 $0xC400, s8;
	s18 =	sadd.s32 $0xE000, s8  }
0xb: {  	s19 =	sadd.s32 $0xFC00, s8;
	s21 =	sadd.s32 $0x11800, s8;
	s1 =	sadd.s32 s7, s22  }
0xc: {  	s20 =	sadd.s32 s8, s6;
	s26 =	sadd.s32 s6, s12;
	s28 =	sadd.s32 s6, s13  }
0xd: {  	s12 =	sadd.s32 s12, s3;
	s13 =	sadd.s32 s13, s3;
	s30 =	sadd.s32 s21, s3  }
0xe: {  	s7 =	sshrl.u32 s1, $0x3;
	s1 =	ssub.s32 s24, s11;
	s11 =	sadd.s32 $0x1C00, s8  }
0xf: {  	s20 =	sshrl.u32 s20, $0x3;
	s8 =	sadd.s32 $0x13400, s8;
	[dreg:$0x17] =	wrdreg s12  }
0x10: {  	s24 =	sadd.s32 s6, s15;
	[dreg:$0x18] =	wrdreg s13;
	s12 =	simm.s32 $0x1  }
0x11: {  	s13 =	simm.s32 $0x200;
	[dreg:$0x1f] =	wrdreg s30;
	s9 =	sadd.s32 s7, s0  }
0x12: {  	s22 =	sadd.s32 s6, s11;
	s20 =	sadd.s32 s10, s20;
	s5 =	sadd.s32 s7, s5  }
0x13: {  	s0 =	sadd.s32 $0x18600, s0;
	s11 =	sadd.s32 s11, s3;
	[dreg:$0x8] =	wrdreg s20  }
0x14: {  	s25 =	sshrl.u32 s22, $0x3;
	s9 =	sadd.s32 $0x1600, s9;
	[dreg:$0x6] =	wrdreg s5  }
0x15: {  	s22 =	sadd.s32 s6, s14;
	s5 =	sshrl.u32 s24, $0x3;
	[dreg:$0x14] =	wrdreg s0  }
0x16: {  	[dreg:$0x16] =	wrdreg s11;
	s0 =	simm.s32 $0x5;
	s11 =	simm.s32 $0x5C00  }
0x17: {  	s20 =	sadd.s32 s10, s25;
	[dreg:$0x5] =	wrdreg s9;
	s9 =	sshrl.u32 s28, $0x3  }
0x18: {  	s7 =	sshrl.u32 s22, $0x3;
	s5 =	sadd.s32 s10, s5;
	[dreg:$0x9] =	wrdreg s20  }
0x19: {  	s25 =	sadd.s32 s6, s16;
	s9 =	sadd.s32 s10, s9;
	[dreg:$0xd] =	wrdreg s5  }
0x1a: {  	s20 =	sshrl.u32 s26, $0x3;
	s7 =	sadd.s32 s10, s7;
	[dreg:$0xb] =	wrdreg s9  }
0x1b: {  	s26 =	sshrl.u32 s25, $0x3;
	s20 =	sadd.s32 s10, s20;
	[dreg:$0xc] =	wrdreg s7  }
0x1c: {  	s28 =	sadd.s32 s10, s26;
	s7 =	sadd.s32 s6, s17;
	s9 =	sadd.s32 s6, s18  }
0x1d: {  	s26 =	sadd.s32 s6, s21;
	s21 =	simm.s32 $0x380;
	[dreg:$0xa] =	wrdreg s20  }
0x1e: {  	[dreg:$0xe] =	wrdreg s28;
	s5 =	sshrl.u32 s7, $0x3;
	s20 =	sadd.s32 s6, s19  }
0x1f: {  	s22 =	sshrl.u32 s9, $0x3;
	s6 =	sadd.s32 s6, s8;
	s28 =	smul.u32 $0x4F000, s23  }
0x20: {  	s9 =	simm.s32 $0x80;
	s23 =	sadd.s32 s16, s3;
	s7 =	simm.s32 $0x2400  }
0x21: {  	s16 =	simm.s32 $0x280;
	s5 =	sadd.s32 s10, s5;
	[dreg:$0x7] =	wrdreg s9  }
0x22: {  	s24 =	sshrl.u32 s20, $0x3;
	s6 =	sshrl.u32 s6, $0x3;
	[dreg:$0x1b] =	wrdreg s23  }
0x23: {  	s20 =	sadd.s32 s14, s3;
	s9 =	simm.s32 $0x4000;
	[dreg:$0xf] =	wrdreg s5  }
0x24: {  	s14 =	simm.s32 $0x2;
	s5 =	sadd.s32 s10, s22;
	[dreg:$0x19] =	wrdreg s20  }
0x25: {  	s23 =	simm.s32 $0x680;
	s25 =	sadd.s32 s10, s24;
	[dreg:$0x10] =	wrdreg s5  }
0x26: {  	s22 =	sadd.s32 s15, s3;
	s24 =	sadd.s32 s17, s3;
	[dreg:$0x11] =	wrdreg s25  }
0x27: {  	s15 =	simm.s32 $0x480;
	s17 =	simm.s32 $0x3;
	[dreg:$0x1a] =	wrdreg s22  }
0x28: {  	s20 =	simm.s32 $0x580;
	s5 =	sshrl.u32 s26, $0x3;
	[dreg:$0x1c] =	wrdreg s24  }
0x29: {  	s25 =	sadd.s32 s18, s3;
	s26 =	sadd.s32 s19, s3;
	s18 =	simm.s32 $0x300  }
0x2a: {  	s19 =	simm.s32 $0x4;
	s22 =	simm.s32 $0x600;
	[dreg:$0x1d] =	wrdreg s25  }
0x2b: {  	s24 =	simm.s32 $0x700;
	s5 =	sadd.s32 s10, s5;
	[dreg:$0x1e] =	wrdreg s26  }
0x2c: {  	s26 =	sadd.s32 s8, s3;
	s8 =	simm.s32 $0x100;
	[dreg:$0x12] =	wrdreg s5  }
0x2d: {  	s25 =	simm.s32 $0x780;
	s5 =	sadd.s32 s10, s6;
	[smem:$0x7FD] =	sst s26  }
0x2e: {  	s10 =	sshrl.u32 s28, $0x2;
	s28 =	smax.u32 s1, $0x1;
	[dreg:$0x13] =	wrdreg s5  }
0x2f: {  	s1 =	simm.s32 $0x800;
	[smem:$0x7FB] =	sst s28;
	s28 =	simm.s32 $0x0  }
0x30: {  	s6 =	simm.s32 $0x38;
	s29 =	sadd.s32 s10, s3;
	[smem:$0x7FC] =	sst s28  }
0x31: {  	s5 =	simm.s32 $0x400;
	s10 =	simm.s32 $0x180;
	[dreg:$0x15] =	wrdreg s29  }
.LBB2_1:
0x32: {  	s28 =	rddreg [dreg:$0x14]  }
0x33: {  	[tilespmem:s1], [sflag:$0x5] =	stream.linear.gather [hbm4b:s28+s4], $0x1C00, $0x38;
	[tilespmem:$0x1B400] =	vst v63  }
0x34: {  	_ =	swait.ge [sflag:s0], $0x1C00  }
0x35: {  	[sflag:s0] =	ssyncset.done $0x0  }
0x36: {  	[sflag:s0] =	ssyncadd.s32 $0xFFFFE400  }
0x37: {  	[spmem:s29] =	stream.linear.scatter [tilespmem:s1], [sflag:$0x5], $0x1C00, $0x38;
	[tilespmem:$0x1B400] =	vst v63  }
0x38: {  	_ =	swait.ge [sflag:s0], $0x1C00  }
0x39: {  	[sflag:s0] =	ssyncset.done $0x0  }
0x3a: {  	s28 =	rddreg [dreg:$0x16];
	[sflag:s0] =	ssyncadd.s32 $0xFFFFE400  }
0x3b: {  	[spmem:s28] =	stream.linear.scatter [tilespmem:s1], [sflag:$0x5], $0x1C00, $0x38;
	[tilespmem:$0x1B400] =	vst v63  }
0x3c: {  	_ =	swait.ge [sflag:s0], $0x1C00  }
0x3d: {  	[sflag:s0] =	ssyncset.done $0x0  }
0x3e: {  	s28 =	rddreg [dreg:$0x17];
	[sflag:s0] =	ssyncadd.s32 $0xFFFFE400  }
0x3f: {  	[spmem:s28] =	stream.linear.scatter [tilespmem:s1], [sflag:$0x5], $0x1C00, $0x38;
	[tilespmem:$0x1B400] =	vst v63  }
0x40: {  	_ =	swait.ge [sflag:s0], $0x1C00  }
0x41: {  	[sflag:s0] =	ssyncset.done $0x0  }
0x42: {  	s28 =	rddreg [dreg:$0x18];
	[sflag:s0] =	ssyncadd.s32 $0xFFFFE400  }
0x43: {  	[spmem:s28] =	stream.linear.scatter [tilespmem:s1], [sflag:$0x5], $0x1C00, $0x38;
	[tilespmem:$0x1B400] =	vst v63  }
0x44: {  	_ =	swait.ge [sflag:s0], $0x1C00  }
0x45: {  	[sflag:s0] =	ssyncset.done $0x0  }
0x46: {  	s28 =	rddreg [dreg:$0x19];
	[sflag:s0] =	ssyncadd.s32 $0xFFFFE400  }
0x47: {  	[spmem:s28] =	stream.linear.scatter [tilespmem:s1], [sflag:$0x5], $0x1C00, $0x38;
	[tilespmem:$0x1B400] =	vst v63  }
0x48: {  	_ =	swait.ge [sflag:s0], $0x1C00  }
0x49: {  	[sflag:s0] =	ssyncset.done $0x0  }
0x4a: {  	s28 =	rddreg [dreg:$0x1a];
	[sflag:s0] =	ssyncadd.s32 $0xFFFFE400  }
0x4b: {  	[spmem:s28] =	stream.linear.scatter [tilespmem:s1], [sflag:$0x5], $0x1C00, $0x38;
	[tilespmem:$0x1B400] =	vst v63  }
0x4c: {  	_ =	swait.ge [sflag:s0], $0x1C00  }
0x4d: {  	[sflag:s0] =	ssyncset.done $0x0  }
0x4e: {  	s28 =	rddreg [dreg:$0x1b];
	[sflag:s0] =	ssyncadd.s32 $0xFFFFE400  }
0x4f: {  	[spmem:s28] =	stream.linear.scatter [tilespmem:s1], [sflag:$0x5], $0x1C00, $0x38;
	[tilespmem:$0x1B400] =	vst v63  }
0x50: {  	_ =	swait.ge [sflag:s0], $0x1C00  }
0x51: {  	[sflag:s0] =	ssyncset.done $0x0  }
0x52: {  	s28 =	rddreg [dreg:$0x1c];
	[sflag:s0] =	ssyncadd.s32 $0xFFFFE400  }
0x53: {  	[spmem:s28] =	stream.linear.scatter [tilespmem:s1], [sflag:$0x5], $0x1C00, $0x38;
	[tilespmem:$0x1B400] =	vst v63  }
0x54: {  	_ =	swait.ge [sflag:s0], $0x1C00  }
0x55: {  	[sflag:s0] =	ssyncset.done $0x0  }
0x56: {  	s28 =	rddreg [dreg:$0x1d];
	[sflag:s0] =	ssyncadd.s32 $0xFFFFE400  }
0x57: {  	[spmem:s28] =	stream.linear.scatter [tilespmem:s1], [sflag:$0x5], $0x1C00, $0x38;
	[tilespmem:$0x1B400] =	vst v63  }
0x58: {  	_ =	swait.ge [sflag:s0], $0x1C00  }
0x59: {  	[sflag:s0] =	ssyncset.done $0x0  }
0x5a: {  	s28 =	rddreg [dreg:$0x1e];
	[sflag:s0] =	ssyncadd.s32 $0xFFFFE400  }
0x5b: {  	[spmem:s28] =	stream.linear.scatter [tilespmem:s1], [sflag:$0x5], $0x1C00, $0x38;
	[tilespmem:$0x1B400] =	vst v63  }
0x5c: {  	_ =	swait.ge [sflag:s0], $0x1C00  }
0x5d: {  	[sflag:s0] =	ssyncset.done $0x0  }
0x5e: {  	[sflag:s0] =	ssyncadd.s32 $0xFFFFE400  }
0x5f: {  	[spmem:s30] =	stream.linear.scatter [tilespmem:s1], [sflag:$0x5], $0x1C00, $0x38;
	[tilespmem:$0x1B400] =	vst v63  }
0x60: {  	_ =	swait.ge [sflag:s0], $0x1C00  }
0x61: {  	[sflag:s0] =	ssyncset.done $0x0  }
0x62: {  	[sflag:s0] =	ssyncadd.s32 $0xFFFFE400  }
0x63: {  	[spmem:s26] =	stream.linear.scatter [tilespmem:s1], [sflag:$0x5], $0x800, $0x38;
	[tilespmem:$0x1B400] =	vst v63  }
0x64: {  	_ =	swait.ge [sflag:s0], $0x800  }
0x65: {  	[sflag:s0] =	ssyncset.done $0x0  }
0x66: {  	[sflag:s0] =	ssyncadd.s32 $0xFFFFF800  }
0x67: {  	[bflag:$0x0] =	sbarrier.arrive $0xFFFF  }
0x68: {  	s28 =	rddreg [dreg:$0x6]  }
0x69: {  	s28 =	sadd.s32 $0x0, s28  }
0x6a: {  	[tilespmem:s4], [sflag:$0x5] =	stream.linear.gather [hbm4b:s28+s4], $0x400, $0x38;
	[tilespmem:$0x1B400] =	vst v63  }
0x6b: {  	_ =	swait.ge [sflag:s0], $0x400  }
0x6c: {  	s28 =	rddreg [dreg:$0x5];
	[sflag:s0] =	ssyncset.done $0x0  }
0x6d: {  	[sflag:s0] =	ssyncadd.s32 $0xFFFFFC00;
	s28 =	sadd.s32 $0x0, s28  }
0x6e: {  	[tilespmem:s5], [sflag:$0x5] =	stream.linear.gather [hbm4b:s28+s4], $0x400, $0x38;
	[tilespmem:$0x1B400] =	vst v63  }
0x6f: {  	_ =	swait.ge [sflag:s0], $0x400  }
0x70: {  	[sflag:s0] =	ssyncset.done $0x0  }
0x71: {  	[sflag:s0] =	ssyncadd.s32 $0xFFFFFC00  }
0x72: {  	[tilespmem:s1], [sflag:$0x1] =	stream.indirect.gather [hbm4b:s2+s6], $0x80, s4, s6, $0xb8;
	[tilespmem:$0x1B400] =	vst v63  }
0x73: {  	s28 =	rddreg [dreg:$0x7]  }
0x74: {  	[tilespmem:s7], [sflag:$0x2] =	stream.indirect.gather [hbm4b:s2+s6], $0x80, s28, s6, $0xb8;
	[tilespmem:$0x1B400] =	vst v63  }
0x75: {  	_ = 	snop  }
0x76: {  	[tilespmem:s9], [sflag:$0x3] =	stream.indirect.gather [hbm4b:s2+s6], $0x80, s8, s6, $0xb8;
	[tilespmem:$0x1B400] =	vst v63  }
0x77: {  	_ = 	snop  }
0x78: {  	[tilespmem:s11], [sflag:$0x4] =	stream.indirect.gather [hbm4b:s2+s6], $0x80, s10, s6, $0xb8;
	[tilespmem:$0x1B400] =	vst v63  }
0x79: {  	_ =	swait.ge [sflag:s12], $0x1C00  }
0x7a: {  	[sflag:s12] =	ssyncset.done $0x0  }
0x7b: {  	[sflag:s12] =	ssyncadd.s32 $0xFFFFE400  }
0x7c: {  	[spmem:s3] =	stream.indirect.scatter.add.f32 [tilespmem:s1], [sflag:$0x5], $0x80, s5, s6, $0xb8;
	[tilespmem:$0x1B400] =	vst v63  }
0x7d: {  	_ =	swait.ge [sflag:s0], $0x1C00  }
0x7e: {  	[sflag:s0] =	ssyncset.done $0x0  }
0x7f: {  	[sflag:s0] =	ssyncadd.s32 $0xFFFFE400  }
0x80: {  	[tilespmem:s1], [sflag:$0x1] =	stream.indirect.gather [hbm4b:s2+s6], $0x80, s13, s6, $0xb8;
	[tilespmem:$0x1B400] =	vst v63  }
0x81: {  	_ =	swait.ge [sflag:s14], $0x1C00  }
0x82: {  	[sflag:s14] =	ssyncset.done $0x0  }
0x83: {  	[sflag:s14] =	ssyncadd.s32 $0xFFFFE400  }
0x84: {  	[spmem:s3] =	stream.indirect.scatter.add.f32 [tilespmem:s7], [sflag:$0x5], $0x80, s15, s6, $0xb8;
	[tilespmem:$0x1B400] =	vst v63  }
0x85: {  	_ =	swait.ge [sflag:s0], $0x1C00  }
0x86: {  	[sflag:s0] =	ssyncset.done $0x0  }
0x87: {  	[sflag:s0] =	ssyncadd.s32 $0xFFFFE400  }
0x88: {  	[tilespmem:s7], [sflag:$0x2] =	stream.indirect.gather [hbm4b:s2+s6], $0x80, s16, s6, $0xb8;
	[tilespmem:$0x1B400] =	vst v63  }
0x89: {  	_ =	swait.ge [sflag:s17], $0x1C00  }
0x8a: {  	[sflag:s17] =	ssyncset.done $0x0  }
0x8b: {  	[sflag:s17] =	ssyncadd.s32 $0xFFFFE400  }
0x8c: {  	[spmem:s3] =	stream.indirect.scatter.add.f32 [tilespmem:s9], [sflag:$0x5], $0x80, s31, s6, $0xb8;
	[tilespmem:$0x1B400] =	vst v63  }
0x8d: {  	_ =	swait.ge [sflag:s0], $0x1C00  }
0x8e: {  	[sflag:s0] =	ssyncset.done $0x0  }
0x8f: {  	[sflag:s0] =	ssyncadd.s32 $0xFFFFE400  }
0x90: {  	[tilespmem:s9], [sflag:$0x3] =	stream.indirect.gather [hbm4b:s2+s6], $0x80, s18, s6, $0xb8;
	[tilespmem:$0x1B400] =	vst v63  }
0x91: {  	_ =	swait.ge [sflag:s19], $0x1C00  }
0x92: {  	[sflag:s19] =	ssyncset.done $0x0  }
0x93: {  	[sflag:s19] =	ssyncadd.s32 $0xFFFFE400  }
0x94: {  	[spmem:s3] =	stream.indirect.scatter.add.f32 [tilespmem:s11], [sflag:$0x5], $0x80, s20, s6, $0xb8;
	[tilespmem:$0x1B400] =	vst v63  }
0x95: {  	_ =	swait.ge [sflag:s0], $0x1C00  }
0x96: {  	[sflag:s0] =	ssyncset.done $0x0  }
0x97: {  	[sflag:s0] =	ssyncadd.s32 $0xFFFFE400  }
0x98: {  	[tilespmem:s11], [sflag:$0x4] =	stream.indirect.gather [hbm4b:s2+s6], $0x80, s21, s6, $0xb8;
	[tilespmem:$0x1B400] =	vst v63  }
0x99: {  	_ =	swait.ge [sflag:s12], $0x1C00  }
0x9a: {  	[sflag:s12] =	ssyncset.done $0x0  }
0x9b: {  	[sflag:s12] =	ssyncadd.s32 $0xFFFFE400  }
0x9c: {  	[spmem:s3] =	stream.indirect.scatter.add.f32 [tilespmem:s1], [sflag:$0x5], $0x80, s22, s6, $0xb8;
	[tilespmem:$0x1B400] =	vst v63  }
0x9d: {  	_ =	swait.ge [sflag:s0], $0x1C00  }
0x9e: {  	[sflag:s0] =	ssyncset.done $0x0  }
0x9f: {  	[sflag:s0] =	ssyncadd.s32 $0xFFFFE400  }
0xa0: {  	_ =	swait.ge [sflag:s14], $0x1C00  }
0xa1: {  	[sflag:s14] =	ssyncset.done $0x0  }
0xa2: {  	[sflag:s14] =	ssyncadd.s32 $0xFFFFE400  }
0xa3: {  	[spmem:s3] =	stream.indirect.scatter.add.f32 [tilespmem:s7], [sflag:$0x5], $0x80, s23, s6, $0xb8;
	[tilespmem:$0x1B400] =	vst v63  }
0xa4: {  	_ =	swait.ge [sflag:s0], $0x1C00  }
0xa5: {  	[sflag:s0] =	ssyncset.done $0x0  }
0xa6: {  	[sflag:s0] =	ssyncadd.s32 $0xFFFFE400  }
0xa7: {  	_ =	swait.ge [sflag:s17], $0x1C00  }
0xa8: {  	[sflag:s17] =	ssyncset.done $0x0  }
0xa9: {  	[sflag:s17] =	ssyncadd.s32 $0xFFFFE400  }
0xaa: {  	[spmem:s3] =	stream.indirect.scatter.add.f32 [tilespmem:s9], [sflag:$0x5], $0x80, s24, s6, $0xb8;
	[tilespmem:$0x1B400] =	vst v63  }
0xab: {  	_ =	swait.ge [sflag:s0], $0x1C00  }
0xac: {  	[sflag:s0] =	ssyncset.done $0x0  }
0xad: {  	[sflag:s0] =	ssyncadd.s32 $0xFFFFE400  }
0xae: {  	_ =	swait.ge [sflag:s19], $0x1C00  }
0xaf: {  	[sflag:s19] =	ssyncset.done $0x0  }
0xb0: {  	[sflag:s19] =	ssyncadd.s32 $0xFFFFE400  }
0xb1: {  	[spmem:s3] =	stream.indirect.scatter.add.f32 [tilespmem:s11], [sflag:$0x5], $0x80, s25, s6, $0xb8;
	[tilespmem:$0x1B400] =	vst v63  }
0xb2: {  	s28 =	simm.s32 $0x80;
	_ =	swait.ge [sflag:s0], $0x1C00  }
.LBB2_2:
0xb3: {  	s29 =	rddreg [dreg:$0x6];
	s30 =	smov.u32 s28;
	[sflag:s0] =	ssyncset.done $0x0  }
0xb4: {  	s29 =	sadd.s32 s30, s29;
	[sflag:s0] =	ssyncadd.s32 $0xFFFFE400  }
0xb5: {  	[tilespmem:s4], [sflag:$0x5] =	stream.linear.gather [hbm4b:s29+s4], $0x400, $0x38;
	[tilespmem:$0x1B400] =	vst v63  }
0xb6: {  	_ =	swait.ge [sflag:s0], $0x400  }
0xb7: {  	s26 =	rddreg [dreg:$0x5];
	[sflag:s0] =	ssyncset.done $0x0  }
0xb8: {  	[sflag:s0] =	ssyncadd.s32 $0xFFFFFC00;
	s29 =	sadd.s32 s30, s26  }
0xb9: {  	[tilespmem:s5], [sflag:$0x5] =	stream.linear.gather [hbm4b:s29+s4], $0x400, $0x38;
	[tilespmem:$0x1B400] =	vst v63  }
0xba: {  	_ =	swait.ge [sflag:s0], $0x400  }
0xbb: {  	[sflag:s0] =	ssyncset.done $0x0  }
0xbc: {  	[sflag:s0] =	ssyncadd.s32 $0xFFFFFC00  }
0xbd: {  	[tilespmem:s1], [sflag:$0x1] =	stream.indirect.gather [hbm4b:s2+s6], $0x80, s4, s6, $0xb8;
	[tilespmem:$0x1B400] =	vst v63  }
0xbe: {  	s30 =	rddreg [dreg:$0x7]  }
0xbf: {  	[tilespmem:s7], [sflag:$0x2] =	stream.indirect.gather [hbm4b:s2+s6], $0x80, s30, s6, $0xb8;
	[tilespmem:$0x1B400] =	vst v63  }
0xc0: {  	_ = 	snop  }
0xc1: {  	[tilespmem:s9], [sflag:$0x3] =	stream.indirect.gather [hbm4b:s2+s6], $0x80, s8, s6, $0xb8;
	[tilespmem:$0x1B400] =	vst v63  }
0xc2: {  	_ = 	snop  }
0xc3: {  	[tilespmem:s11], [sflag:$0x4] =	stream.indirect.gather [hbm4b:s2+s6], $0x80, s10, s6, $0xb8;
	[tilespmem:$0x1B400] =	vst v63  }
0xc4: {  	_ =	swait.ge [sflag:s12], $0x1C00  }
0xc5: {  	[sflag:s12] =	ssyncset.done $0x0  }
0xc6: {  	[sflag:s12] =	ssyncadd.s32 $0xFFFFE400  }
0xc7: {  	[spmem:s3] =	stream.indirect.scatter.add.f32 [tilespmem:s1], [sflag:$0x5], $0x80, s5, s6, $0xb8;
	[tilespmem:$0x1B400] =	vst v63  }
0xc8: {  	_ =	swait.ge [sflag:s0], $0x1C00  }
0xc9: {  	[sflag:s0] =	ssyncset.done $0x0  }
0xca: {  	[sflag:s0] =	ssyncadd.s32 $0xFFFFE400  }
0xcb: {  	[tilespmem:s1], [sflag:$0x1] =	stream.indirect.gather [hbm4b:s2+s6], $0x80, s13, s6, $0xb8;
	[tilespmem:$0x1B400] =	vst v63  }
0xcc: {  	_ =	swait.ge [sflag:s14], $0x1C00  }
0xcd: {  	[sflag:s14] =	ssyncset.done $0x0  }
0xce: {  	[sflag:s14] =	ssyncadd.s32 $0xFFFFE400  }
0xcf: {  	[spmem:s3] =	stream.indirect.scatter.add.f32 [tilespmem:s7], [sflag:$0x5], $0x80, s15, s6, $0xb8;
	[tilespmem:$0x1B400] =	vst v63  }
0xd0: {  	_ =	swait.ge [sflag:s0], $0x1C00  }
0xd1: {  	[sflag:s0] =	ssyncset.done $0x0  }
0xd2: {  	[sflag:s0] =	ssyncadd.s32 $0xFFFFE400  }
0xd3: {  	[tilespmem:s7], [sflag:$0x2] =	stream.indirect.gather [hbm4b:s2+s6], $0x80, s16, s6, $0xb8;
	[tilespmem:$0x1B400] =	vst v63  }
0xd4: {  	_ =	swait.ge [sflag:s17], $0x1C00  }
0xd5: {  	[sflag:s17] =	ssyncset.done $0x0  }
0xd6: {  	[sflag:s17] =	ssyncadd.s32 $0xFFFFE400  }
0xd7: {  	[spmem:s3] =	stream.indirect.scatter.add.f32 [tilespmem:s9], [sflag:$0x5], $0x80, s31, s6, $0xb8;
	[tilespmem:$0x1B400] =	vst v63  }
0xd8: {  	_ =	swait.ge [sflag:s0], $0x1C00  }
0xd9: {  	[sflag:s0] =	ssyncset.done $0x0  }
0xda: {  	[sflag:s0] =	ssyncadd.s32 $0xFFFFE400  }
0xdb: {  	[tilespmem:s9], [sflag:$0x3] =	stream.indirect.gather [hbm4b:s2+s6], $0x80, s18, s6, $0xb8;
	[tilespmem:$0x1B400] =	vst v63  }
0xdc: {  	_ =	swait.ge [sflag:s19], $0x1C00  }
0xdd: {  	[sflag:s19] =	ssyncset.done $0x0  }
0xde: {  	[sflag:s19] =	ssyncadd.s32 $0xFFFFE400  }
0xdf: {  	[spmem:s3] =	stream.indirect.scatter.add.f32 [tilespmem:s11], [sflag:$0x5], $0x80, s20, s6, $0xb8;
	[tilespmem:$0x1B400] =	vst v63  }
0xe0: {  	_ =	swait.ge [sflag:s0], $0x1C00  }
0xe1: {  	[sflag:s0] =	ssyncset.done $0x0  }
0xe2: {  	[sflag:s0] =	ssyncadd.s32 $0xFFFFE400  }
0xe3: {  	[tilespmem:s11], [sflag:$0x4] =	stream.indirect.gather [hbm4b:s2+s6], $0x80, s21, s6, $0xb8;
	[tilespmem:$0x1B400] =	vst v63  }
0xe4: {  	_ =	swait.ge [sflag:s12], $0x1C00  }
0xe5: {  	[sflag:s12] =	ssyncset.done $0x0  }
0xe6: {  	[sflag:s12] =	ssyncadd.s32 $0xFFFFE400  }
0xe7: {  	[spmem:s3] =	stream.indirect.scatter.add.f32 [tilespmem:s1], [sflag:$0x5], $0x80, s22, s6, $0xb8;
	[tilespmem:$0x1B400] =	vst v63  }
0xe8: {  	_ =	swait.ge [sflag:s0], $0x1C00  }
0xe9: {  	[sflag:s0] =	ssyncset.done $0x0  }
0xea: {  	[sflag:s0] =	ssyncadd.s32 $0xFFFFE400  }
0xeb: {  	_ =	swait.ge [sflag:s14], $0x1C00  }
0xec: {  	[sflag:s14] =	ssyncset.done $0x0  }
0xed: {  	[sflag:s14] =	ssyncadd.s32 $0xFFFFE400  }
0xee: {  	[spmem:s3] =	stream.indirect.scatter.add.f32 [tilespmem:s7], [sflag:$0x5], $0x80, s23, s6, $0xb8;
	[tilespmem:$0x1B400] =	vst v63  }
0xef: {  	_ =	swait.ge [sflag:s0], $0x1C00  }
0xf0: {  	[sflag:s0] =	ssyncset.done $0x0  }
0xf1: {  	[sflag:s0] =	ssyncadd.s32 $0xFFFFE400  }
0xf2: {  	_ =	swait.ge [sflag:s17], $0x1C00  }
0xf3: {  	[sflag:s17] =	ssyncset.done $0x0  }
0xf4: {  	[sflag:s17] =	ssyncadd.s32 $0xFFFFE400  }
0xf5: {  	[spmem:s3] =	stream.indirect.scatter.add.f32 [tilespmem:s9], [sflag:$0x5], $0x80, s24, s6, $0xb8;
	[tilespmem:$0x1B400] =	vst v63  }
0xf6: {  	_ =	swait.ge [sflag:s0], $0x1C00  }
0xf7: {  	[sflag:s0] =	ssyncset.done $0x0  }
0xf8: {  	p0 =	sne.s32 s28, $0xB00;
	[sflag:s0] =	ssyncadd.s32 $0xFFFFE400  }
.Ltmp0:
0xf9: {  	_ =	swait.ge [sflag:s19], $0x1C00;
	(pc) =	sbr.rel @p0 .LBB2_2-.Ltmp0, $4  }
0xfa: {  	[sflag:s19] =	ssyncset.done $0x0  }
0xfb: {  	[sflag:s19] =	ssyncadd.s32 $0xFFFFE400  }
0xfc: {  	[spmem:s3] =	stream.indirect.scatter.add.f32 [tilespmem:s11], [sflag:$0x5], $0x80, s25, s6, $0xb8;
	[tilespmem:$0x1B400] =	vst v63  }
0xfd: {  	s28 =	sadd.s32 $0x80, s28;
	_ =	swait.ge [sflag:s0], $0x1C00  }
0xfe: {  	[sflag:s0] =	ssyncset.done $0x0  }
0xff: {  	[sflag:s0] =	ssyncadd.s32 $0xFFFFE400  }
0x100: {  	[bflag:$0x0] =	sbarrier.arrive $0xFFFF  }
0x101: {  	s26 =	rddreg [dreg:$0x15]  }
0x102: {  	[tilespmem:s1], [sflag:$0x5] =	stream.linear.gather [spmem:s26], $0x1C00, $0x38;
	[tilespmem:$0x1B400] =	vst v63  }
0x103: {  	_ =	swait.ge [sflag:s0], $0x1C00  }
0x104: {  	[sflag:s0] =	ssyncset.done $0x0  }
0x105: {  	s28 =	rddreg [dreg:$0x8];
	[sflag:s0] =	ssyncadd.s32 $0xFFFFE400  }
0x106: {  	[hbm4b:s28+s4] =	stream.linear.scatter [tilespmem:s1], [sflag:$0x5], $0x1C00, $0x38;
	[tilespmem:$0x1B400] =	vst v63  }
0x107: {  	_ =	swait.ge [sflag:s0], $0x1C00  }
0x108: {  	[sflag:s0] =	ssyncset.done $0x0  }
0x109: {  	s28 =	rddreg [dreg:$0x16];
	[sflag:s0] =	ssyncadd.s32 $0xFFFFE400  }
0x10a: {  	[tilespmem:s1], [sflag:$0x5] =	stream.linear.gather [spmem:s28], $0x1C00, $0x38;
	[tilespmem:$0x1B400] =	vst v63  }
0x10b: {  	_ =	swait.ge [sflag:s0], $0x1C00  }
0x10c: {  	[sflag:s0] =	ssyncset.done $0x0  }
0x10d: {  	s26 =	rddreg [dreg:$0x9];
	[sflag:s0] =	ssyncadd.s32 $0xFFFFE400  }
0x10e: {  	[hbm4b:s26+s4] =	stream.linear.scatter [tilespmem:s1], [sflag:$0x5], $0x1C00, $0x38;
	[tilespmem:$0x1B400] =	vst v63  }
0x10f: {  	_ =	swait.ge [sflag:s0], $0x1C00  }
0x110: {  	[sflag:s0] =	ssyncset.done $0x0  }
0x111: {  	s28 =	rddreg [dreg:$0x17];
	[sflag:s0] =	ssyncadd.s32 $0xFFFFE400  }
0x112: {  	[tilespmem:s1], [sflag:$0x5] =	stream.linear.gather [spmem:s28], $0x1C00, $0x38;
	[tilespmem:$0x1B400] =	vst v63  }
0x113: {  	_ =	swait.ge [sflag:s0], $0x1C00  }
0x114: {  	[sflag:s0] =	ssyncset.done $0x0  }
0x115: {  	s26 =	rddreg [dreg:$0xa];
	[sflag:s0] =	ssyncadd.s32 $0xFFFFE400  }
0x116: {  	[hbm4b:s26+s4] =	stream.linear.scatter [tilespmem:s1], [sflag:$0x5], $0x1C00, $0x38;
	[tilespmem:$0x1B400] =	vst v63  }
0x117: {  	_ =	swait.ge [sflag:s0], $0x1C00  }
0x118: {  	[sflag:s0] =	ssyncset.done $0x0  }
0x119: {  	s28 =	rddreg [dreg:$0x18];
	[sflag:s0] =	ssyncadd.s32 $0xFFFFE400  }
0x11a: {  	[tilespmem:s1], [sflag:$0x5] =	stream.linear.gather [spmem:s28], $0x1C00, $0x38;
	[tilespmem:$0x1B400] =	vst v63  }
0x11b: {  	_ =	swait.ge [sflag:s0], $0x1C00  }
0x11c: {  	[sflag:s0] =	ssyncset.done $0x0  }
0x11d: {  	s26 =	rddreg [dreg:$0xb];
	[sflag:s0] =	ssyncadd.s32 $0xFFFFE400  }
0x11e: {  	[hbm4b:s26+s4] =	stream.linear.scatter [tilespmem:s1], [sflag:$0x5], $0x1C00, $0x38;
	[tilespmem:$0x1B400] =	vst v63  }
0x11f: {  	_ =	swait.ge [sflag:s0], $0x1C00  }
0x120: {  	[sflag:s0] =	ssyncset.done $0x0  }
0x121: {  	s28 =	rddreg [dreg:$0x19];
	[sflag:s0] =	ssyncadd.s32 $0xFFFFE400  }
0x122: {  	[tilespmem:s1], [sflag:$0x5] =	stream.linear.gather [spmem:s28], $0x1C00, $0x38;
	[tilespmem:$0x1B400] =	vst v63  }
0x123: {  	_ =	swait.ge [sflag:s0], $0x1C00  }
0x124: {  	[sflag:s0] =	ssyncset.done $0x0  }
0x125: {  	s26 =	rddreg [dreg:$0xc];
	[sflag:s0] =	ssyncadd.s32 $0xFFFFE400  }
0x126: {  	[hbm4b:s26+s4] =	stream.linear.scatter [tilespmem:s1], [sflag:$0x5], $0x1C00, $0x38;
	[tilespmem:$0x1B400] =	vst v63  }
0x127: {  	_ =	swait.ge [sflag:s0], $0x1C00  }
0x128: {  	[sflag:s0] =	ssyncset.done $0x0  }
0x129: {  	s28 =	rddreg [dreg:$0x1a];
	[sflag:s0] =	ssyncadd.s32 $0xFFFFE400  }
0x12a: {  	[tilespmem:s1], [sflag:$0x5] =	stream.linear.gather [spmem:s28], $0x1C00, $0x38;
	[tilespmem:$0x1B400] =	vst v63  }
0x12b: {  	_ =	swait.ge [sflag:s0], $0x1C00  }
0x12c: {  	[sflag:s0] =	ssyncset.done $0x0  }
0x12d: {  	s26 =	rddreg [dreg:$0xd];
	[sflag:s0] =	ssyncadd.s32 $0xFFFFE400  }
0x12e: {  	[hbm4b:s26+s4] =	stream.linear.scatter [tilespmem:s1], [sflag:$0x5], $0x1C00, $0x38;
	[tilespmem:$0x1B400] =	vst v63  }
0x12f: {  	_ =	swait.ge [sflag:s0], $0x1C00  }
0x130: {  	[sflag:s0] =	ssyncset.done $0x0  }
0x131: {  	s28 =	rddreg [dreg:$0x1b];
	[sflag:s0] =	ssyncadd.s32 $0xFFFFE400  }
0x132: {  	[tilespmem:s1], [sflag:$0x5] =	stream.linear.gather [spmem:s28], $0x1C00, $0x38;
	[tilespmem:$0x1B400] =	vst v63  }
0x133: {  	_ =	swait.ge [sflag:s0], $0x1C00  }
0x134: {  	[sflag:s0] =	ssyncset.done $0x0  }
0x135: {  	s26 =	rddreg [dreg:$0xe];
	[sflag:s0] =	ssyncadd.s32 $0xFFFFE400  }
0x136: {  	[hbm4b:s26+s4] =	stream.linear.scatter [tilespmem:s1], [sflag:$0x5], $0x1C00, $0x38;
	[tilespmem:$0x1B400] =	vst v63  }
0x137: {  	_ =	swait.ge [sflag:s0], $0x1C00  }
0x138: {  	[sflag:s0] =	ssyncset.done $0x0  }
0x139: {  	s28 =	rddreg [dreg:$0x1c];
	[sflag:s0] =	ssyncadd.s32 $0xFFFFE400  }
0x13a: {  	[tilespmem:s1], [sflag:$0x5] =	stream.linear.gather [spmem:s28], $0x1C00, $0x38;
	[tilespmem:$0x1B400] =	vst v63  }
0x13b: {  	_ =	swait.ge [sflag:s0], $0x1C00  }
0x13c: {  	[sflag:s0] =	ssyncset.done $0x0  }
0x13d: {  	s26 =	rddreg [dreg:$0xf];
	[sflag:s0] =	ssyncadd.s32 $0xFFFFE400  }
0x13e: {  	[hbm4b:s26+s4] =	stream.linear.scatter [tilespmem:s1], [sflag:$0x5], $0x1C00, $0x38;
	[tilespmem:$0x1B400] =	vst v63  }
0x13f: {  	_ =	swait.ge [sflag:s0], $0x1C00  }
0x140: {  	[sflag:s0] =	ssyncset.done $0x0  }
0x141: {  	s28 =	rddreg [dreg:$0x1d];
	[sflag:s0] =	ssyncadd.s32 $0xFFFFE400  }
0x142: {  	[tilespmem:s1], [sflag:$0x5] =	stream.linear.gather [spmem:s28], $0x1C00, $0x38;
	[tilespmem:$0x1B400] =	vst v63  }
0x143: {  	_ =	swait.ge [sflag:s0], $0x1C00  }
0x144: {  	[sflag:s0] =	ssyncset.done $0x0  }
0x145: {  	s26 =	rddreg [dreg:$0x10];
	[sflag:s0] =	ssyncadd.s32 $0xFFFFE400  }
0x146: {  	[hbm4b:s26+s4] =	stream.linear.scatter [tilespmem:s1], [sflag:$0x5], $0x1C00, $0x38;
	[tilespmem:$0x1B400] =	vst v63  }
0x147: {  	_ =	swait.ge [sflag:s0], $0x1C00  }
0x148: {  	[sflag:s0] =	ssyncset.done $0x0  }
0x149: {  	s28 =	rddreg [dreg:$0x1e];
	[sflag:s0] =	ssyncadd.s32 $0xFFFFE400  }
0x14a: {  	[tilespmem:s1], [sflag:$0x5] =	stream.linear.gather [spmem:s28], $0x1C00, $0x38;
	[tilespmem:$0x1B400] =	vst v63  }
0x14b: {  	_ =	swait.ge [sflag:s0], $0x1C00  }
0x14c: {  	[sflag:s0] =	ssyncset.done $0x0  }
0x14d: {  	s26 =	rddreg [dreg:$0x11];
	[sflag:s0] =	ssyncadd.s32 $0xFFFFE400  }
0x14e: {  	[hbm4b:s26+s4] =	stream.linear.scatter [tilespmem:s1], [sflag:$0x5], $0x1C00, $0x38;
	[tilespmem:$0x1B400] =	vst v63  }
0x14f: {  	_ =	swait.ge [sflag:s0], $0x1C00  }
0x150: {  	[sflag:s0] =	ssyncset.done $0x0  }
0x151: {  	s30 =	rddreg [dreg:$0x1f];
	[sflag:s0] =	ssyncadd.s32 $0xFFFFE400  }
0x152: {  	[tilespmem:s1], [sflag:$0x5] =	stream.linear.gather [spmem:s30], $0x1C00, $0x38;
	[tilespmem:$0x1B400] =	vst v63  }
0x153: {  	_ =	swait.ge [sflag:s0], $0x1C00  }
0x154: {  	[sflag:s0] =	ssyncset.done $0x0  }
0x155: {  	s26 =	rddreg [dreg:$0x12];
	[sflag:s0] =	ssyncadd.s32 $0xFFFFE400  }
0x156: {  	[hbm4b:s26+s4] =	stream.linear.scatter [tilespmem:s1], [sflag:$0x5], $0x1C00, $0x38;
	[tilespmem:$0x1B400] =	vst v63  }
0x157: {  	_ =	swait.ge [sflag:s0], $0x1C00  }
0x158: {  	s26 =	sld [smem:$0x7FD]  }
0x159: {  	[sflag:s0] =	ssyncset.done $0x0  }
0x15a: {  	[sflag:s0] =	ssyncadd.s32 $0xFFFFE400  }
0x15b: {  	[tilespmem:s1], [sflag:$0x5] =	stream.linear.gather [spmem:s26], $0x800, $0x38;
	[tilespmem:$0x1B400] =	vst v63  }
0x15c: {  	_ =	swait.ge [sflag:s0], $0x800  }
0x15d: {  	[sflag:s0] =	ssyncset.done $0x0  }
0x15e: {  	s28 =	rddreg [dreg:$0x13];
	[sflag:s0] =	ssyncadd.s32 $0xFFFFF800  }
0x15f: {  	[hbm4b:s28+s4] =	stream.linear.scatter [tilespmem:s1], [sflag:$0x5], $0x800, $0x38;
	[tilespmem:$0x1B400] =	vst v63  }
0x160: {  	_ =	swait.ge [sflag:s0], $0x800  }
0x161: {  	s29 =	sld [smem:$0x7FC]  }
0x162: {  	s28 =	sld [smem:$0x7FB];
	_ =	sdelay $0x1  }
0x163: {  	s29 =	sadd.s32 $0x1, s29  }
0x164: {  	p0 =	sne.s32 s29, s28  }
.Ltmp1:
0x165: {  	_ = 	snop;
	(pc) =	sbr.rel @p0 .LBB2_1-.Ltmp1, $3  }
0x166: {  	_ =	sdelay $0x1  }
0x167: {  	[sflag:s0] =	ssyncset.done $0x0;
	[smem:$0x7FC] =	sst s29  }
0x168: {  	[sflag:s0] =	ssyncadd.s32 $0xFFFFF800;
	s29 =	rddreg [dreg:$0x15]  }
0x169: {  	_ =	sfence.sel $0x180000  }
0x16a: {  	[bflag:$0x0] =	sbarrier.arrive $0xFFFF  }
0x16b: {  	_ =	strace $0x90000047  }
0x16c: {  	s0 =	stileid.u32;
	[bflag:$0x2] =	sbarrier.arrive $0xFFFF  }
0x16d: {  	p0 =	sne.s32 s0, $0x0;
	s0 =	rddreg [dreg:$0x4]  }
0x16e: {  	s0 =	sadd.s32 @!p0 $0x100000, s0  }
0x16f: {  	[sflag:s0] =	ssyncadd.tile.s32 @!p0 $0x1;
	_ =	shalt  }
.Lfunc_end2:
_tile_overlayer_lowered:
.L_overlay_start_2:
0x170: {  	(tag) =	ssettag $0x2  }
0x171: {  	s0 =	rddreg [dreg:$0x0];
	s2 =	stileid.u32  }
0x172: {  	s1 =	rddreg [dreg:$0x1];
	p0 =	sne.s32 s2, $0x0  }
0x173: {  	s3 =	rddreg [dreg:$0x2];
	[bflag:$0x3] =	sbarrier.arrive $0xFFFF;
	s2 =	simm.s32 @!p0 $0x1C05  }
0x174: {  	[timem:s3], [sflag:s2] =	dma.local @!p0 [hbm:s0], s1  }
0x175: {  	s0 =	simm.s32 @!p0 $0x5  }
0x176: {  	_ =	swait.ge @!p0 [sflag:s0], s1  }
0x177: {  	s1 =	ssub.s32 @!p0 $0x0, s1;
	[sflag:s0] =	ssyncset.done @!p0 $0x0  }
0x178: {  	[sflag:s0] =	ssyncadd.s32 @!p0 s1  }
0x179: {  	[bflag:$0x3] =	sbarrier.arrive $0xFFFF  }
0x17a: {  	_ =	shalt  }

</sc_bundles>
